<compile_context>
chip_gen: v7x
topology: tpu7x:2x2x1
jax: 0.10.2.dev20260603
libtpu: 0.0.44.dev20260713+nightly
codegen_flags: <defaults>
</compile_context>

<pallas_src>
import functools

import jax
import jax.numpy as jnp
from jax import lax
from jax.experimental import pallas as pl
from jax.experimental.pallas import tpu as pltpu
from jax.experimental.pallas import tpu_sc as plsc

_BETA = 0.9
_K1 = 10.0
_SUPPRESSION_EPS = 10.0

_B = 16384
_C = 1000
_N = 1_000_000

_BB = 2048
_NW = 32
_SPT = _B // _NW
_VSTEP = 16



def _loss_body(l_ref, tgt_ref, loss_ref):
    i = pl.program_id(0)
    x = l_ref[0]
    t = tgt_ref[0, pl.ds(i * _BB, _BB)]
    m = jnp.max(x, axis=1)
    e = jnp.exp(x - m[:, None])
    s = jnp.sum(e, axis=1)
    col = lax.broadcasted_iota(jnp.int32, (1, _C), 1)
    tl = jnp.sum(jnp.where(col == t[:, None], x, 0.0), axis=1)
    loss_ref[0, pl.ds(i * _BB, _BB)] = jnp.log(s) + m - tl


def _compute_loss(logits, targets):
    l3 = logits.reshape(_B // _BB, _BB, _C)
    tgt2 = targets.reshape(1, _B)
    loss2 = pl.pallas_call(
        _loss_body,
        grid=(_B // _BB,),
        in_specs=[
            pl.BlockSpec((1, _BB, _C), lambda i: (i, 0, 0)),
            pl.BlockSpec((1, _B), lambda i: (0, 0)),
        ],
        out_specs=pl.BlockSpec((1, _B), lambda i: (0, 0)),
        out_shape=jax.ShapeDtypeStruct((1, _B), jnp.float32),
    )(l3, tgt2)
    return loss2.reshape(_B)



@functools.partial(
    pl.kernel,
    out_type=(),
    mesh=plsc.VectorSubcoreMesh(core_axis_name="c", subcore_axis_name="s"),
    scratch_types=[
        pltpu.VMEM((_SPT,), jnp.int32),
        pltpu.VMEM((_SPT,), jnp.float32),
        pltpu.VMEM((_SPT,), jnp.float32),
        pltpu.VMEM((_SPT,), jnp.float32),
        pltpu.VMEM((_SPT,), jnp.float32),
        pltpu.VMEM((_SPT,), jnp.float32),
        pltpu.VMEM((2 * _VSTEP,), jnp.float32),
        pltpu.SemaphoreType.DMA,
        pltpu.SemaphoreType.DMA,
        pltpu.SemaphoreType.DMA,
        pltpu.SemaphoreType.DMA,
        pltpu.SemaphoreType.DMA,
        pltpu.SemaphoreType.DMA,
    ],
)
def _sc_kernel(exp_hbm, idx_hbm, loss_hbm, dpm_hbm, s_hbm,
               buf_hbm, out1_hbm,
               idx_v, g_v, new_v, loss_v, dpm_v, out1_v, s_v,
               sem_i, sem_l, sem_d, sem_s, sem_g, sem_o):
    core = lax.axis_index("c")
    tid = lax.axis_index("s")
    wid = tid * 2 + core
    base = wid * _SPT

    pltpu.async_copy(idx_hbm.at[pl.ds(base, _SPT)], idx_v, sem_i)
    pltpu.async_copy(loss_hbm.at[pl.ds(base, _SPT)], loss_v, sem_l)
    pltpu.async_copy(dpm_hbm.at[pl.ds(base, _SPT)], dpm_v, sem_d)
    pltpu.async_copy(s_hbm, s_v, sem_s)

    pltpu.make_async_copy(idx_hbm.at[pl.ds(base, _SPT)], idx_v, sem_i).wait()
    pltpu.async_copy(exp_hbm.at[idx_v], g_v, sem_g)

    pltpu.make_async_copy(loss_hbm.at[pl.ds(base, _SPT)], loss_v,
                          sem_l).wait()
    pltpu.make_async_copy(dpm_hbm.at[pl.ds(base, _SPT)], dpm_v, sem_d).wait()
    pltpu.make_async_copy(s_hbm, s_v, sem_s).wait()
    pltpu.make_async_copy(exp_hbm.at[idx_v], g_v, sem_g).wait()

    s1 = s_v[pl.ds(0, _VSTEP)]
    s2 = s_v[pl.ds(_VSTEP, _VSTEP)]
    for k in range(_SPT // _VSTEP):
        sl = pl.ds(k * _VSTEP, _VSTEP)
        nv = g_v[sl] * _BETA + loss_v[sl] * (1.0 - _BETA)
        new_v[sl] = nv
        out1_v[sl] = (nv * s1 - s2) / dpm_v[sl]

    pltpu.async_copy(out1_v, out1_hbm.at[pl.ds(base, _SPT)], sem_o)
    pltpu.async_copy(new_v, buf_hbm.at[idx_v], sem_g)

    pltpu.make_async_copy(out1_v, out1_hbm.at[pl.ds(base, _SPT)],
                          sem_o).wait()
    pltpu.make_async_copy(new_v, buf_hbm.at[idx_v], sem_g).wait()



def kernel(logits, targets, data_parameter_minibatch, exp_avg, index_dataset, epoch):
    loss = _compute_loss(logits, targets.astype(jnp.int32))

    ep = jnp.asarray(epoch, jnp.float32)
    es = jnp.where(ep < _SUPPRESSION_EPS, (ep + 1.0) / 10.0, 1.0)
    bias_cor = 1.0 - jnp.power(_BETA, ep + 1.0)
    s1 = es / bias_cor
    s2 = _K1 * es
    s_arr = jnp.concatenate([
        jnp.full((_VSTEP,), s1, jnp.float32),
        jnp.full((_VSTEP,), s2, jnp.float32),
    ])

    buf = jax.new_ref(exp_avg)
    out1 = jax.new_ref(jnp.zeros((_B,), jnp.float32))
    _sc_kernel(exp_avg, index_dataset.astype(jnp.int32), loss,
               data_parameter_minibatch, s_arr, buf, out1)
    return out1[...], buf[...]

# --- scband reference (transcript-rebuilt; emitter-appended) ---
"""Pipeline reference for scband-discrim-ealoss-28630251995786 (READ-ONLY COPY).

The authoritative reference and input builder live on the scoring server;
editing this copy changes nothing except your own understanding.
"""

import jax, jax.numpy as jnp
import numpy as np

beta = 0.9
SUPPRESSION_EPS = 10
K1 = 10

def ES_linear(ce, eps=SUPPRESSION_EPS):
    return jnp.where(ce < eps, (ce + 1) / 10.0, 1.0)

def setup_inputs(seed: int = 0):
    key = jax.random.key(seed)
    k1, k2, k3, k4, k5 = jax.random.split(key, 5)
    B = 16384
    C = 1000
    N = 1000000
    logits = jax.random.normal(k1, (B, C), dtype=jnp.float32)
    targets = jax.random.randint(k2, (B,), 0, C, dtype=jnp.int32)
    data_parameter_minibatch = jax.random.uniform(k3, (B,), dtype=jnp.float32, minval=0.5, maxval=1.5)
    exp_avg = jax.random.uniform(k4, (N,), dtype=jnp.float32)
    index_dataset = jax.random.randint(k5, (B,), 0, N, dtype=jnp.int32)
    epoch = 5
    return {"logits": logits, "targets": targets, "data_parameter_minibatch": data_parameter_minibatch, "exp_avg": exp_avg, "index_dataset": index_dataset, "epoch": epoch}

def reference(logits, targets, data_parameter_minibatch, exp_avg, index_dataset, epoch):
    es = ES_linear(epoch)
    # cross_entropy with reduction='none'
    logp = jax.nn.log_softmax(logits, axis=-1)
    loss = -jnp.take_along_axis(logp, targets[:, None].astype(jnp.int32), axis=1)[:, 0]
    # gather from EMA memory
    gathered = jnp.take(exp_avg, index_dataset, axis=0)
    new_loss = gathered * beta + loss * (1.0 - beta)
    # scatter-overwrite the memory buffer with detached values
    exp_avg_updated = exp_avg.at[index_dataset].set(jax.lax.stop_gradient(new_loss))
    bias_cor = 1.0 - beta ** (epoch + 1)
    new_loss = new_loss / bias_cor
    new_loss = new_loss - K1
    new_loss = new_loss * es
    new_loss = new_loss / data_parameter_minibatch
    return new_loss, exp_avg_updated

if __name__ == "__main__":
    import jax
    _d = setup_inputs()
    print(jax.jit(kernel)(*tuple(_d.values())))

</pallas_src>

<mosaic_0001>
#map = affine_map<(d0, d1) -> (0)>
module attributes {stable_mosaic.version = 14 : i64} {
  func.func @new_body(%arg0: i32, %arg1: i32, %arg2: memref<1000000xf32, #tpu.memory_space<hbm>>, %arg3: memref<16384xi32, #tpu.memory_space<hbm>>, %arg4: memref<16384xf32, #tpu.memory_space<hbm>>, %arg5: memref<16384xf32, #tpu.memory_space<hbm>>, %arg6: memref<32xf32, #tpu.memory_space<hbm>>, %arg7: memref<1000000xf32, #tpu.memory_space<hbm>>, %arg8: memref<16384xf32, #tpu.memory_space<hbm>>, %arg9: memref<1000000xf32, #tpu.memory_space<hbm>>, %arg10: memref<16384xf32, #tpu.memory_space<hbm>>, %arg11: memref<512xi32, #tpu.memory_space<vmem>>, %arg12: memref<512xf32, #tpu.memory_space<vmem>>, %arg13: memref<512xf32, #tpu.memory_space<vmem>>, %arg14: memref<512xf32, #tpu.memory_space<vmem>>, %arg15: memref<512xf32, #tpu.memory_space<vmem>>, %arg16: memref<512xf32, #tpu.memory_space<vmem>>, %arg17: memref<32xf32, #tpu.memory_space<vmem>>, %arg18: memref<!tpu.dma_semaphore, #tpu.memory_space<semaphore_mem>>, %arg19: memref<!tpu.dma_semaphore, #tpu.memory_space<semaphore_mem>>, %arg20: memref<!tpu.dma_semaphore, #tpu.memory_space<semaphore_mem>>, %arg21: memref<!tpu.dma_semaphore, #tpu.memory_space<semaphore_mem>>, %arg22: memref<!tpu.dma_semaphore, #tpu.memory_space<semaphore_mem>>, %arg23: memref<!tpu.dma_semaphore, #tpu.memory_space<semaphore_mem>>) attributes {dimension_semantics = [#tpu.dimension_semantics<core_parallel>, #tpu.dimension_semantics<subcore_parallel>], iteration_bounds = array<i64: 2, 16>, scalar_prefetch = 0 : i64, scratch_operands = 13 : i64, tpu.core_type = #tpu.core_type<sc_vector_subcore>, window_params = [{transform_indices = #map}, {transform_indices = #map}, {transform_indices = #map}, {transform_indices = #map}, {transform_indices = #map}, {transform_indices = #map}, {transform_indices = #map}, {transform_indices = #map}, {transform_indices = #map}]} {
    %mul3A = arith.constant 2 : i32
    %mul3A_0 = arith.muli %arg1, %mul3A : i32
    %add3A = arith.addi %mul3A_0, %arg0 : i32
    %mul3A_1 = arith.constant 512 : i32
    %mul3A_2 = arith.muli %add3A, %mul3A_1 : i32
    %dma_start3A = tpu.memref_slice %arg3[%mul3A_2] : memref<16384xi32, #tpu.memory_space<hbm>> -> memref<512xi32, #tpu.memory_space<hbm>>
    %dma_start3A_3 = tpu.memref_slice %arg3[%mul3A_2] : memref<16384xi32, #tpu.memory_space<hbm>> -> memref<512xi32, #tpu.memory_space<hbm>>
    tpu.enqueue_dma source(%dma_start3A_3 : memref<512xi32, #tpu.memory_space<hbm>>) target(%arg11 : memref<512xi32, #tpu.memory_space<vmem>>) target_semaphore(%arg18 : memref<!tpu.dma_semaphore, #tpu.memory_space<semaphore_mem>>)
    %dma_start3A_4 = tpu.memref_slice %arg4[%mul3A_2] : memref<16384xf32, #tpu.memory_space<hbm>> -> memref<512xf32, #tpu.memory_space<hbm>>
    %dma_start3A_5 = tpu.memref_slice %arg4[%mul3A_2] : memref<16384xf32, #tpu.memory_space<hbm>> -> memref<512xf32, #tpu.memory_space<hbm>>
    tpu.enqueue_dma source(%dma_start3A_5 : memref<512xf32, #tpu.memory_space<hbm>>) target(%arg14 : memref<512xf32, #tpu.memory_space<vmem>>) target_semaphore(%arg19 : memref<!tpu.dma_semaphore, #tpu.memory_space<semaphore_mem>>)
    %dma_start3A_6 = tpu.memref_slice %arg5[%mul3A_2] : memref<16384xf32, #tpu.memory_space<hbm>> -> memref<512xf32, #tpu.memory_space<hbm>>
    %dma_start3A_7 = tpu.memref_slice %arg5[%mul3A_2] : memref<16384xf32, #tpu.memory_space<hbm>> -> memref<512xf32, #tpu.memory_space<hbm>>
    tpu.enqueue_dma source(%dma_start3A_7 : memref<512xf32, #tpu.memory_space<hbm>>) target(%arg15 : memref<512xf32, #tpu.memory_space<vmem>>) target_semaphore(%arg20 : memref<!tpu.dma_semaphore, #tpu.memory_space<semaphore_mem>>)
    tpu.enqueue_dma source(%arg6 : memref<32xf32, #tpu.memory_space<hbm>>) target(%arg17 : memref<32xf32, #tpu.memory_space<vmem>>) target_semaphore(%arg21 : memref<!tpu.dma_semaphore, #tpu.memory_space<semaphore_mem>>)
    %dma_wait3A = tpu.memref_slice %arg3[%mul3A_2] : memref<16384xi32, #tpu.memory_space<hbm>> -> memref<512xi32, #tpu.memory_space<hbm>>
    %dma_wait3A_8 = tpu.memref_slice %arg3[%mul3A_2] : memref<16384xi32, #tpu.memory_space<hbm>> -> memref<512xi32, #tpu.memory_space<hbm>>
    tpu.wait_dma2 semaphore(%arg18 : memref<!tpu.dma_semaphore, #tpu.memory_space<semaphore_mem>>) src(%dma_wait3A_8 : memref<512xi32, #tpu.memory_space<hbm>>) dst(%arg11 : memref<512xi32, #tpu.memory_space<vmem>>)
    %dma_start3A_9 = arith.constant 0 : i32
    %dma_start3A_10 = tpu.memref_slice %arg2[%dma_start3A_9] : memref<1000000xf32, #tpu.memory_space<hbm>> -> memref<1000000xf32, #tpu.memory_space<hbm>>
    tpu.enqueue_indirect_dma source(%dma_start3A_10 : memref<1000000xf32, #tpu.memory_space<hbm>>) target(%arg12 : memref<512xf32, #tpu.memory_space<vmem>>) offsets(%arg11 : memref<512xi32, #tpu.memory_space<vmem>>) semaphore(%arg22 : memref<!tpu.dma_semaphore, #tpu.memory_space<semaphore_mem>>)
    %dma_wait3A_11 = tpu.memref_slice %arg4[%mul3A_2] : memref<16384xf32, #tpu.memory_space<hbm>> -> memref<512xf32, #tpu.memory_space<hbm>>
    %dma_wait3A_12 = tpu.memref_slice %arg4[%mul3A_2] : memref<16384xf32, #tpu.memory_space<hbm>> -> memref<512xf32, #tpu.memory_space<hbm>>
    tpu.wait_dma2 semaphore(%arg19 : memref<!tpu.dma_semaphore, #tpu.memory_space<semaphore_mem>>) src(%dma_wait3A_12 : memref<512xf32, #tpu.memory_space<hbm>>) dst(%arg14 : memref<512xf32, #tpu.memory_space<vmem>>)
    %dma_wait3A_13 = tpu.memref_slice %arg5[%mul3A_2] : memref<16384xf32, #tpu.memory_space<hbm>> -> memref<512xf32, #tpu.memory_space<hbm>>
    %dma_wait3A_14 = tpu.memref_slice %arg5[%mul3A_2] : memref<16384xf32, #tpu.memory_space<hbm>> -> memref<512xf32, #tpu.memory_space<hbm>>
    tpu.wait_dma2 semaphore(%arg20 : memref<!tpu.dma_semaphore, #tpu.memory_space<semaphore_mem>>) src(%dma_wait3A_14 : memref<512xf32, #tpu.memory_space<hbm>>) dst(%arg15 : memref<512xf32, #tpu.memory_space<vmem>>)
    tpu.wait_dma2 semaphore(%arg21 : memref<!tpu.dma_semaphore, #tpu.memory_space<semaphore_mem>>) src(%arg6 : memref<32xf32, #tpu.memory_space<hbm>>) dst(%arg17 : memref<32xf32, #tpu.memory_space<vmem>>)
    %dma_wait3A_15 = arith.constant 0 : i32
    %dma_wait3A_16 = tpu.memref_slice %arg2[%dma_wait3A_15] : memref<1000000xf32, #tpu.memory_space<hbm>> -> memref<1000000xf32, #tpu.memory_space<hbm>>
    tpu.wait_indirect_dma semaphore(%arg22 : memref<!tpu.dma_semaphore, #tpu.memory_space<semaphore_mem>>) src(%dma_wait3A_16 : memref<1000000xf32, #tpu.memory_space<hbm>>) dst(%arg12 : memref<512xf32, #tpu.memory_space<vmem>>)
    %get3A = arith.constant 0 : index
    %get3A_17 = tpu.vector_load %arg17[%get3A] {strides = array<i32>} : memref<32xf32, #tpu.memory_space<vmem>>, vector<16xf32>,
    %get3A_18 = vector.shape_cast %get3A_17 : vector<16xf32> to vector<16xf32>
    %get3A_19 = arith.constant 16 : index
    %get3A_20 = tpu.vector_load %arg17[%get3A_19] {strides = array<i32>} : memref<32xf32, #tpu.memory_space<vmem>>, vector<16xf32>,
    %get3A_21 = vector.shape_cast %get3A_20 : vector<16xf32> to vector<16xf32>
    %get3A_22 = arith.constant 0 : index
    %get3A_23 = tpu.vector_load %arg12[%get3A_22] {strides = array<i32>} : memref<512xf32, #tpu.memory_space<vmem>>, vector<16xf32>,
    %get3A_24 = vector.shape_cast %get3A_23 : vector<16xf32> to vector<16xf32>
    %mul3A_25 = arith.constant 0.899999976 : f32
    %mul3A_26 = vector.broadcast %mul3A_25 : f32 to vector<16xf32>
    %mul3A_27 = arith.mulf %get3A_24, %mul3A_26 : vector<16xf32>
    %get3A_28 = arith.constant 0 : index
    %get3A_29 = tpu.vector_load %arg14[%get3A_28] {strides = array<i32>} : memref<512xf32, #tpu.memory_space<vmem>>, vector<16xf32>,
    %get3A_30 = vector.shape_cast %get3A_29 : vector<16xf32> to vector<16xf32>
    %mul3A_31 = arith.constant 1.000000e-01 : f32
    %mul3A_32 = vector.broadcast %mul3A_31 : f32 to vector<16xf32>
    %mul3A_33 = arith.mulf %get3A_30, %mul3A_32 : vector<16xf32>
    %add3A_34 = arith.addf %mul3A_27, %mul3A_33 : vector<16xf32>
    %swap3A = arith.constant 0 : index
    %swap3A_35 = tpu.vector_load %arg13[%swap3A] {strides = array<i32>} : memref<512xf32, #tpu.memory_space<vmem>>, vector<16xf32>,
    %swap3A_36 = vector.shape_cast %swap3A_35 : vector<16xf32> to vector<16xf32>
    %swap3A_37 = vector.shape_cast %add3A_34 : vector<16xf32> to vector<16xf32>
    tpu.vector_store %arg13[%swap3A], %swap3A_37 {strides = array<i32>} : memref<512xf32, #tpu.memory_space<vmem>>, vector<16xf32>,
    %mul3A_38 = arith.mulf %add3A_34, %get3A_18 : vector<16xf32>
    %sub3A = arith.subf %mul3A_38, %get3A_21 : vector<16xf32>
    %get3A_39 = arith.constant 0 : index
    %get3A_40 = tpu.vector_load %arg15[%get3A_39] {strides = array<i32>} : memref<512xf32, #tpu.memory_space<vmem>>, vector<16xf32>,
    %get3A_41 = vector.shape_cast %get3A_40 : vector<16xf32> to vector<16xf32>
    %div3A = arith.divf %sub3A, %get3A_41 : vector<16xf32>
    %swap3A_42 = arith.constant 0 : index
    %swap3A_43 = tpu.vector_load %arg16[%swap3A_42] {strides = array<i32>} : memref<512xf32, #tpu.memory_space<vmem>>, vector<16xf32>,
    %swap3A_44 = vector.shape_cast %swap3A_43 : vector<16xf32> to vector<16xf32>
    %swap3A_45 = vector.shape_cast %div3A : vector<16xf32> to vector<16xf32>
    tpu.vector_store %arg16[%swap3A_42], %swap3A_45 {strides = array<i32>} : memref<512xf32, #tpu.memory_space<vmem>>, vector<16xf32>,
    %get3A_46 = arith.constant 16 : index
    %get3A_47 = tpu.vector_load %arg12[%get3A_46] {strides = array<i32>} : memref<512xf32, #tpu.memory_space<vmem>>, vector<16xf32>,
    %get3A_48 = vector.shape_cast %get3A_47 : vector<16xf32> to vector<16xf32>
    %mul3A_49 = arith.constant 0.899999976 : f32
    %mul3A_50 = vector.broadcast %mul3A_49 : f32 to vector<16xf32>
    %mul3A_51 = arith.mulf %get3A_48, %mul3A_50 : vector<16xf32>
    %get3A_52 = arith.constant 16 : index
    %get3A_53 = tpu.vector_load %arg14[%get3A_52] {strides = array<i32>} : memref<512xf32, #tpu.memory_space<vmem>>, vector<16xf32>,
    %get3A_54 = vector.shape_cast %get3A_53 : vector<16xf32> to vector<16xf32>
    %mul3A_55 = arith.constant 1.000000e-01 : f32
    %mul3A_56 = vector.broadcast %mul3A_55 : f32 to vector<16xf32>
    %mul3A_57 = arith.mulf %get3A_54, %mul3A_56 : vector<16xf32>
    %add3A_58 = arith.addf %mul3A_51, %mul3A_57 : vector<16xf32>
    %swap3A_59 = arith.constant 16 : index
    %swap3A_60 = tpu.vector_load %arg13[%swap3A_59] {strides = array<i32>} : memref<512xf32, #tpu.memory_space<vmem>>, vector<16xf32>,
    %swap3A_61 = vector.shape_cast %swap3A_60 : vector<16xf32> to vector<16xf32>
    %swap3A_62 = vector.shape_cast %add3A_58 : vector<16xf32> to vector<16xf32>
    tpu.vector_store %arg13[%swap3A_59], %swap3A_62 {strides = array<i32>} : memref<512xf32, #tpu.memory_space<vmem>>, vector<16xf32>,
    %mul3A_63 = arith.mulf %add3A_58, %get3A_18 : vector<16xf32>
    %sub3A_64 = arith.subf %mul3A_63, %get3A_21 : vector<16xf32>
    %get3A_65 = arith.constant 16 : index
    %get3A_66 = tpu.vector_load %arg15[%get3A_65] {strides = array<i32>} : memref<512xf32, #tpu.memory_space<vmem>>, vector<16xf32>,
    %get3A_67 = vector.shape_cast %get3A_66 : vector<16xf32> to vector<16xf32>
    %div3A_68 = arith.divf %sub3A_64, %get3A_67 : vector<16xf32>
    %swap3A_69 = arith.constant 16 : index
    %swap3A_70 = tpu.vector_load %arg16[%swap3A_69] {strides = array<i32>} : memref<512xf32, #tpu.memory_space<vmem>>, vector<16xf32>,
    %swap3A_71 = vector.shape_cast %swap3A_70 : vector<16xf32> to vector<16xf32>
    %swap3A_72 = vector.shape_cast %div3A_68 : vector<16xf32> to vector<16xf32>
    tpu.vector_store %arg16[%swap3A_69], %swap3A_72 {strides = array<i32>} : memref<512xf32, #tpu.memory_space<vmem>>, vector<16xf32>,
    %get3A_73 = arith.constant 32 : index
    %get3A_74 = tpu.vector_load %arg12[%get3A_73] {strides = array<i32>} : memref<512xf32, #tpu.memory_space<vmem>>, vector<16xf32>,
    %get3A_75 = vector.shape_cast %get3A_74 : vector<16xf32> to vector<16xf32>
    %mul3A_76 = arith.constant 0.899999976 : f32
    %mul3A_77 = vector.broadcast %mul3A_76 : f32 to vector<16xf32>
    %mul3A_78 = arith.mulf %get3A_75, %mul3A_77 : vector<16xf32>
    %get3A_79 = arith.constant 32 : index
    %get3A_80 = tpu.vector_load %arg14[%get3A_79] {strides = array<i32>} : memref<512xf32, #tpu.memory_space<vmem>>, vector<16xf32>,
    %get3A_81 = vector.shape_cast %get3A_80 : vector<16xf32> to vector<16xf32>
    %mul3A_82 = arith.constant 1.000000e-01 : f32
    %mul3A_83 = vector.broadcast %mul3A_82 : f32 to vector<16xf32>
    %mul3A_84 = arith.mulf %get3A_81, %mul3A_83 : vector<16xf32>
    %add3A_85 = arith.addf %mul3A_78, %mul3A_84 : vector<16xf32>
    %swap3A_86 = arith.constant 32 : index
    %swap3A_87 = tpu.vector_load %arg13[%swap3A_86] {strides = array<i32>} : memref<512xf32, #tpu.memory_space<vmem>>, vector<16xf32>,
    %swap3A_88 = vector.shape_cast %swap3A_87 : vector<16xf32> to vector<16xf32>
    %swap3A_89 = vector.shape_cast %add3A_85 : vector<16xf32> to vector<16xf32>
    tpu.vector_store %arg13[%swap3A_86], %swap3A_89 {strides = array<i32>} : memref<512xf32, #tpu.memory_space<vmem>>, vector<16xf32>,
    %mul3A_90 = arith.mulf %add3A_85, %get3A_18 : vector<16xf32>
    %sub3A_91 = arith.subf %mul3A_90, %get3A_21 : vector<16xf32>
    %get3A_92 = arith.constant 32 : index
    %get3A_93 = tpu.vector_load %arg15[%get3A_92] {strides = array<i32>} : memref<512xf32, #tpu.memory_space<vmem>>, vector<16xf32>,
    %get3A_94 = vector.shape_cast %get3A_93 : vector<16xf32> to vector<16xf32>
    %div3A_95 = arith.divf %sub3A_91, %get3A_94 : vector<16xf32>
    %swap3A_96 = arith.constant 32 : index
    %swap3A_97 = tpu.vector_load %arg16[%swap3A_96] {strides = array<i32>} : memref<512xf32, #tpu.memory_space<vmem>>, vector<16xf32>,
    %swap3A_98 = vector.shape_cast %swap3A_97 : vector<16xf32> to vector<16xf32>
    %swap3A_99 = vector.shape_cast %div3A_95 : vector<16xf32> to vector<16xf32>
    tpu.vector_store %arg16[%swap3A_96], %swap3A_99 {strides = array<i32>} : memref<512xf32, #tpu.memory_space<vmem>>, vector<16xf32>,
    %get3A_100 = arith.constant 48 : index
    %get3A_101 = tpu.vector_load %arg12[%get3A_100] {strides = array<i32>} : memref<512xf32, #tpu.memory_space<vmem>>, vector<16xf32>,
    %get3A_102 = vector.shape_cast %get3A_101 : vector<16xf32> to vector<16xf32>
    %mul3A_103 = arith.constant 0.899999976 : f32
    %mul3A_104 = vector.broadcast %mul3A_103 : f32 to vector<16xf32>
    %mul3A_105 = arith.mulf %get3A_102, %mul3A_104 : vector<16xf32>
    %get3A_106 = arith.constant 48 : index
    %get3A_107 = tpu.vector_load %arg14[%get3A_106] {strides = array<i32>} : memref<512xf32, #tpu.memory_space<vmem>>, vector<16xf32>,
    %get3A_108 = vector.shape_cast %get3A_107 : vector<16xf32> to vector<16xf32>
    %mul3A_109 = arith.constant 1.000000e-01 : f32
    %mul3A_110 = vector.broadcast %mul3A_109 : f32 to vector<16xf32>
    %mul3A_111 = arith.mulf %get3A_108, %mul3A_110 : vector<16xf32>
    %add3A_112 = arith.addf %mul3A_105, %mul3A_111 : vector<16xf32>
    %swap3A_113 = arith.constant 48 : index
    %swap3A_114 = tpu.vector_load %arg13[%swap3A_113] {strides = array<i32>} : memref<512xf32, #tpu.memory_space<vmem>>, vector<16xf32>,
    %swap3A_115 = vector.shape_cast %swap3A_114 : vector<16xf32> to vector<16xf32>
    %swap3A_116 = vector.shape_cast %add3A_112 : vector<16xf32> to vector<16xf32>
    tpu.vector_store %arg13[%swap3A_113], %swap3A_116 {strides = array<i32>} : memref<512xf32, #tpu.memory_space<vmem>>, vector<16xf32>,
    %mul3A_117 = arith.mulf %add3A_112, %get3A_18 : vector<16xf32>
    %sub3A_118 = arith.subf %mul3A_117, %get3A_21 : vector<16xf32>
    %get3A_119 = arith.constant 48 : index
    %get3A_120 = tpu.vector_load %arg15[%get3A_119] {strides = array<i32>} : memref<512xf32, #tpu.memory_space<vmem>>, vector<16xf32>,
    %get3A_121 = vector.shape_cast %get3A_120 : vector<16xf32> to vector<16xf32>
    %div3A_122 = arith.divf %sub3A_118, %get3A_121 : vector<16xf32>
    %swap3A_123 = arith.constant 48 : index
    %swap3A_124 = tpu.vector_load %arg16[%swap3A_123] {strides = array<i32>} : memref<512xf32, #tpu.memory_space<vmem>>, vector<16xf32>,
    %swap3A_125 = vector.shape_cast %swap3A_124 : vector<16xf32> to vector<16xf32>
    %swap3A_126 = vector.shape_cast %div3A_122 : vector<16xf32> to vector<16xf32>
    tpu.vector_store %arg16[%swap3A_123], %swap3A_126 {strides = array<i32>} : memref<512xf32, #tpu.memory_space<vmem>>, vector<16xf32>,
    %get3A_127 = arith.constant 64 : index
    %get3A_128 = tpu.vector_load %arg12[%get3A_127] {strides = array<i32>} : memref<512xf32, #tpu.memory_space<vmem>>, vector<16xf32>,
    %get3A_129 = vector.shape_cast %get3A_128 : vector<16xf32> to vector<16xf32>
    %mul3A_130 = arith.constant 0.899999976 : f32
    %mul3A_131 = vector.broadcast %mul3A_130 : f32 to vector<16xf32>
    %mul3A_132 = arith.mulf %get3A_129, %mul3A_131 : vector<16xf32>
    %get3A_133 = arith.constant 64 : index
    %get3A_134 = tpu.vector_load %arg14[%get3A_133] {strides = array<i32>} : memref<512xf32, #tpu.memory_space<vmem>>, vector<16xf32>,
    %get3A_135 = vector.shape_cast %get3A_134 : vector<16xf32> to vector<16xf32>
    %mul3A_136 = arith.constant 1.000000e-01 : f32
    %mul3A_137 = vector.broadcast %mul3A_136 : f32 to vector<16xf32>
    %mul3A_138 = arith.mulf %get3A_135, %mul3A_137 : vector<16xf32>
    %add3A_139 = arith.addf %mul3A_132, %mul3A_138 : vector<16xf32>
    %swap3A_140 = arith.constant 64 : index
    %swap3A_141 = tpu.vector_load %arg13[%swap3A_140] {strides = array<i32>} : memref<512xf32, #tpu.memory_space<vmem>>, vector<16xf32>,
    %swap3A_142 = vector.shape_cast %swap3A_141 : vector<16xf32> to vector<16xf32>
    %swap3A_143 = vector.shape_cast %add3A_139 : vector<16xf32> to vector<16xf32>
    tpu.vector_store %arg13[%swap3A_140], %swap3A_143 {strides = array<i32>} : memref<512xf32, #tpu.memory_space<vmem>>, vector<16xf32>,
    %mul3A_144 = arith.mulf %add3A_139, %get3A_18 : vector<16xf32>
    %sub3A_145 = arith.subf %mul3A_144, %get3A_21 : vector<16xf32>
    %get3A_146 = arith.constant 64 : index
    %get3A_147 = tpu.vector_load %arg15[%get3A_146] {strides = array<i32>} : memref<512xf32, #tpu.memory_space<vmem>>, vector<16xf32>,
    %get3A_148 = vector.shape_cast %get3A_147 : vector<16xf32> to vector<16xf32>
    %div3A_149 = arith.divf %sub3A_145, %get3A_148 : vector<16xf32>
    %swap3A_150 = arith.constant 64 : index
    %swap3A_151 = tpu.vector_load %arg16[%swap3A_150] {strides = array<i32>} : memref<512xf32, #tpu.memory_space<vmem>>, vector<16xf32>,
    %swap3A_152 = vector.shape_cast %swap3A_151 : vector<16xf32> to vector<16xf32>
    %swap3A_153 = vector.shape_cast %div3A_149 : vector<16xf32> to vector<16xf32>
    tpu.vector_store %arg16[%swap3A_150], %swap3A_153 {strides = array<i32>} : memref<512xf32, #tpu.memory_space<vmem>>, vector<16xf32>,
    %get3A_154 = arith.constant 80 : index
    %get3A_155 = tpu.vector_load %arg12[%get3A_154] {strides = array<i32>} : memref<512xf32, #tpu.memory_space<vmem>>, vector<16xf32>,
    %get3A_156 = vector.shape_cast %get3A_155 : vector<16xf32> to vector<16xf32>
    %mul3A_157 = arith.constant 0.899999976 : f32
    %mul3A_158 = vector.broadcast %mul3A_157 : f32 to vector<16xf32>
    %mul3A_159 = arith.mulf %get3A_156, %mul3A_158 : vector<16xf32>
    %get3A_160 = arith.constant 80 : index
    %get3A_161 = tpu.vector_load %arg14[%get3A_160] {strides = array<i32>} : memref<512xf32, #tpu.memory_space<vmem>>, vector<16xf32>,
    %get3A_162 = vector.shape_cast %get3A_161 : vector<16xf32> to vector<16xf32>
    %mul3A_163 = arith.constant 1.000000e-01 : f32
    %mul3A_164 = vector.broadcast %mul3A_163 : f32 to vector<16xf32>
    %mul3A_165 = arith.mulf %get3A_162, %mul3A_164 : vector<16xf32>
    %add3A_166 = arith.addf %mul3A_159, %mul3A_165 : vector<16xf32>
    %swap3A_167 = arith.constant 80 : index
    %swap3A_168 = tpu.vector_load %arg13[%swap3A_167] {strides = array<i32>} : memref<512xf32, #tpu.memory_space<vmem>>, vector<16xf32>,
    %swap3A_169 = vector.shape_cast %swap3A_168 : vector<16xf32> to vector<16xf32>
    %swap3A_170 = vector.shape_cast %add3A_166 : vector<16xf32> to vector<16xf32>
    tpu.vector_store %arg13[%swap3A_167], %swap3A_170 {strides = array<i32>} : memref<512xf32, #tpu.memory_space<vmem>>, vector<16xf32>,
    %mul3A_171 = arith.mulf %add3A_166, %get3A_18 : vector<16xf32>
    %sub3A_172 = arith.subf %mul3A_171, %get3A_21 : vector<16xf32>
    %get3A_173 = arith.constant 80 : index
    %get3A_174 = tpu.vector_load %arg15[%get3A_173] {strides = array<i32>} : memref<512xf32, #tpu.memory_space<vmem>>, vector<16xf32>,
    %get3A_175 = vector.shape_cast %get3A_174 : vector<16xf32> to vector<16xf32>
    %div3A_176 = arith.divf %sub3A_172, %get3A_175 : vector<16xf32>
    %swap3A_177 = arith.constant 80 : index
    %swap3A_178 = tpu.vector_load %arg16[%swap3A_177] {strides = array<i32>} : memref<512xf32, #tpu.memory_space<vmem>>, vector<16xf32>,
    %swap3A_179 = vector.shape_cast %swap3A_178 : vector<16xf32> to vector<16xf32>
    %swap3A_180 = vector.shape_cast %div3A_176 : vector<16xf32> to vector<16xf32>
    tpu.vector_store %arg16[%swap3A_177], %swap3A_180 {strides = array<i32>} : memref<512xf32, #tpu.memory_space<vmem>>, vector<16xf32>,
    %get3A_181 = arith.constant 96 : index
    %get3A_182 = tpu.vector_load %arg12[%get3A_181] {strides = array<i32>} : memref<512xf32, #tpu.memory_space<vmem>>, vector<16xf32>,
    %get3A_183 = vector.shape_cast %get3A_182 : vector<16xf32> to vector<16xf32>
    %mul3A_184 = arith.constant 0.899999976 : f32
    %mul3A_185 = vector.broadcast %mul3A_184 : f32 to vector<16xf32>
    %mul3A_186 = arith.mulf %get3A_183, %mul3A_185 : vector<16xf32>
    %get3A_187 = arith.constant 96 : index
    %get3A_188 = tpu.vector_load %arg14[%get3A_187] {strides = array<i32>} : memref<512xf32, #tpu.memory_space<vmem>>, vector<16xf32>,
    %get3A_189 = vector.shape_cast %get3A_188 : vector<16xf32> to vector<16xf32>
    %mul3A_190 = arith.constant 1.000000e-01 : f32
    %mul3A_191 = vector.broadcast %mul3A_190 : f32 to vector<16xf32>
    %mul3A_192 = arith.mulf %get3A_189, %mul3A_191 : vector<16xf32>
    %add3A_193 = arith.addf %mul3A_186, %mul3A_192 : vector<16xf32>
    %swap3A_194 = arith.constant 96 : index
    %swap3A_195 = tpu.vector_load %arg13[%swap3A_194] {strides = array<i32>} : memref<512xf32, #tpu.memory_space<vmem>>, vector<16xf32>,
    %swap3A_196 = vector.shape_cast %swap3A_195 : vector<16xf32> to vector<16xf32>
    %swap3A_197 = vector.shape_cast %add3A_193 : vector<16xf32> to vector<16xf32>
    tpu.vector_store %arg13[%swap3A_194], %swap3A_197 {strides = array<i32>} : memref<512xf32, #tpu.memory_space<vmem>>, vector<16xf32>,
    %mul3A_198 = arith.mulf %add3A_193, %get3A_18 : vector<16xf32>
    %sub3A_199 = arith.subf %mul3A_198, %get3A_21 : vector<16xf32>
    %get3A_200 = arith.constant 96 : index
    %get3A_201 = tpu.vector_load %arg15[%get3A_200] {strides = array<i32>} : memref<512xf32, #tpu.memory_space<vmem>>, vector<16xf32>,
    %get3A_202 = vector.shape_cast %get3A_201 : vector<16xf32> to vector<16xf32>
    %div3A_203 = arith.divf %sub3A_199, %get3A_202 : vector<16xf32>
    %swap3A_204 = arith.constant 96 : index
    %swap3A_205 = tpu.vector_load %arg16[%swap3A_204] {strides = array<i32>} : memref<512xf32, #tpu.memory_space<vmem>>, vector<16xf32>,
    %swap3A_206 = vector.shape_cast %swap3A_205 : vector<16xf32> to vector<16xf32>
    %swap3A_207 = vector.shape_cast %div3A_203 : vector<16xf32> to vector<16xf32>
    tpu.vector_store %arg16[%swap3A_204], %swap3A_207 {strides = array<i32>} : memref<512xf32, #tpu.memory_space<vmem>>, vector<16xf32>,
    %get3A_208 = arith.constant 112 : index
    %get3A_209 = tpu.vector_load %arg12[%get3A_208] {strides = array<i32>} : memref<512xf32, #tpu.memory_space<vmem>>, vector<16xf32>,
    %get3A_210 = vector.shape_cast %get3A_209 : vector<16xf32> to vector<16xf32>
    %mul3A_211 = arith.constant 0.899999976 : f32
    %mul3A_212 = vector.broadcast %mul3A_211 : f32 to vector<16xf32>
    %mul3A_213 = arith.mulf %get3A_210, %mul3A_212 : vector<16xf32>
    %get3A_214 = arith.constant 112 : index
    %get3A_215 = tpu.vector_load %arg14[%get3A_214] {strides = array<i32>} : memref<512xf32, #tpu.memory_space<vmem>>, vector<16xf32>,
    %get3A_216 = vector.shape_cast %get3A_215 : vector<16xf32> to vector<16xf32>
    %mul3A_217 = arith.constant 1.000000e-01 : f32
    %mul3A_218 = vector.broadcast %mul3A_217 : f32 to vector<16xf32>
    %mul3A_219 = arith.mulf %get3A_216, %mul3A_218 : vector<16xf32>
    %add3A_220 = arith.addf %mul3A_213, %mul3A_219 : vector<16xf32>
    %swap3A_221 = arith.constant 112 : index
    %swap3A_222 = tpu.vector_load %arg13[%swap3A_221] {strides = array<i32>} : memref<512xf32, #tpu.memory_space<vmem>>, vector<16xf32>,
    %swap3A_223 = vector.shape_cast %swap3A_222 : vector<16xf32> to vector<16xf32>
    %swap3A_224 = vector.shape_cast %add3A_220 : vector<16xf32> to vector<16xf32>
    tpu.vector_store %arg13[%swap3A_221], %swap3A_224 {strides = array<i32>} : memref<512xf32, #tpu.memory_space<vmem>>, vector<16xf32>,
    %mul3A_225 = arith.mulf %add3A_220, %get3A_18 : vector<16xf32>
    %sub3A_226 = arith.subf %mul3A_225, %get3A_21 : vector<16xf32>
    %get3A_227 = arith.constant 112 : index
    %get3A_228 = tpu.vector_load %arg15[%get3A_227] {strides = array<i32>} : memref<512xf32, #tpu.memory_space<vmem>>, vector<16xf32>,
    %get3A_229 = vector.shape_cast %get3A_228 : vector<16xf32> to vector<16xf32>
    %div3A_230 = arith.divf %sub3A_226, %get3A_229 : vector<16xf32>
    %swap3A_231 = arith.constant 112 : index
    %swap3A_232 = tpu.vector_load %arg16[%swap3A_231] {strides = array<i32>} : memref<512xf32, #tpu.memory_space<vmem>>, vector<16xf32>,
    %swap3A_233 = vector.shape_cast %swap3A_232 : vector<16xf32> to vector<16xf32>
    %swap3A_234 = vector.shape_cast %div3A_230 : vector<16xf32> to vector<16xf32>
    tpu.vector_store %arg16[%swap3A_231], %swap3A_234 {strides = array<i32>} : memref<512xf32, #tpu.memory_space<vmem>>, vector<16xf32>,
    %get3A_235 = arith.constant 128 : index
    %get3A_236 = tpu.vector_load %arg12[%get3A_235] {strides = array<i32>} : memref<512xf32, #tpu.memory_space<vmem>>, vector<16xf32>,
    %get3A_237 = vector.shape_cast %get3A_236 : vector<16xf32> to vector<16xf32>
    %mul3A_238 = arith.constant 0.899999976 : f32
    %mul3A_239 = vector.broadcast %mul3A_238 : f32 to vector<16xf32>
    %mul3A_240 = arith.mulf %get3A_237, %mul3A_239 : vector<16xf32>
    %get3A_241 = arith.constant 128 : index
    %get3A_242 = tpu.vector_load %arg14[%get3A_241] {strides = array<i32>} : memref<512xf32, #tpu.memory_space<vmem>>, vector<16xf32>,
    %get3A_243 = vector.shape_cast %get3A_242 : vector<16xf32> to vector<16xf32>
    %mul3A_244 = arith.constant 1.000000e-01 : f32
    %mul3A_245 = vector.broadcast %mul3A_244 : f32 to vector<16xf32>
    %mul3A_246 = arith.mulf %get3A_243, %mul3A_245 : vector<16xf32>
    %add3A_247 = arith.addf %mul3A_240, %mul3A_246 : vector<16xf32>
    %swap3A_248 = arith.constant 128 : index
    %swap3A_249 = tpu.vector_load %arg13[%swap3A_248] {strides = array<i32>} : memref<512xf32, #tpu.memory_space<vmem>>, vector<16xf32>,
    %swap3A_250 = vector.shape_cast %swap3A_249 : vector<16xf32> to vector<16xf32>
    %swap3A_251 = vector.shape_cast %add3A_247 : vector<16xf32> to vector<16xf32>
    tpu.vector_store %arg13[%swap3A_248], %swap3A_251 {strides = array<i32>} : memref<512xf32, #tpu.memory_space<vmem>>, vector<16xf32>,
    %mul3A_252 = arith.mulf %add3A_247, %get3A_18 : vector<16xf32>
    %sub3A_253 = arith.subf %mul3A_252, %get3A_21 : vector<16xf32>
    %get3A_254 = arith.constant 128 : index
    %get3A_255 = tpu.vector_load %arg15[%get3A_254] {strides = array<i32>} : memref<512xf32, #tpu.memory_space<vmem>>, vector<16xf32>,
    %get3A_256 = vector.shape_cast %get3A_255 : vector<16xf32> to vector<16xf32>
    %div3A_257 = arith.divf %sub3A_253, %get3A_256 : vector<16xf32>
    %swap3A_258 = arith.constant 128 : index
    %swap3A_259 = tpu.vector_load %arg16[%swap3A_258] {strides = array<i32>} : memref<512xf32, #tpu.memory_space<vmem>>, vector<16xf32>,
    %swap3A_260 = vector.shape_cast %swap3A_259 : vector<16xf32> to vector<16xf32>
    %swap3A_261 = vector.shape_cast %div3A_257 : vector<16xf32> to vector<16xf32>
    tpu.vector_store %arg16[%swap3A_258], %swap3A_261 {strides = array<i32>} : memref<512xf32, #tpu.memory_space<vmem>>, vector<16xf32>,
    %get3A_262 = arith.constant 144 : index
    %get3A_263 = tpu.vector_load %arg12[%get3A_262] {strides = array<i32>} : memref<512xf32, #tpu.memory_space<vmem>>, vector<16xf32>,
    %get3A_264 = vector.shape_cast %get3A_263 : vector<16xf32> to vector<16xf32>
    %mul3A_265 = arith.constant 0.899999976 : f32
    %mul3A_266 = vector.broadcast %mul3A_265 : f32 to vector<16xf32>
    %mul3A_267 = arith.mulf %get3A_264, %mul3A_266 : vector<16xf32>
    %get3A_268 = arith.constant 144 : index
    %get3A_269 = tpu.vector_load %arg14[%get3A_268] {strides = array<i32>} : memref<512xf32, #tpu.memory_space<vmem>>, vector<16xf32>,
    %get3A_270 = vector.shape_cast %get3A_269 : vector<16xf32> to vector<16xf32>
    %mul3A_271 = arith.constant 1.000000e-01 : f32
    %mul3A_272 = vector.broadcast %mul3A_271 : f32 to vector<16xf32>
    %mul3A_273 = arith.mulf %get3A_270, %mul3A_272 : vector<16xf32>
    %add3A_274 = arith.addf %mul3A_267, %mul3A_273 : vector<16xf32>
    %swap3A_275 = arith.constant 144 : index
    %swap3A_276 = tpu.vector_load %arg13[%swap3A_275] {strides = array<i32>} : memref<512xf32, #tpu.memory_space<vmem>>, vector<16xf32>,
    %swap3A_277 = vector.shape_cast %swap3A_276 : vector<16xf32> to vector<16xf32>
    %swap3A_278 = vector.shape_cast %add3A_274 : vector<16xf32> to vector<16xf32>
    tpu.vector_store %arg13[%swap3A_275], %swap3A_278 {strides = array<i32>} : memref<512xf32, #tpu.memory_space<vmem>>, vector<16xf32>,
    %mul3A_279 = arith.mulf %add3A_274, %get3A_18 : vector<16xf32>
    %sub3A_280 = arith.subf %mul3A_279, %get3A_21 : vector<16xf32>
    %get3A_281 = arith.constant 144 : index
    %get3A_282 = tpu.vector_load %arg15[%get3A_281] {strides = array<i32>} : memref<512xf32, #tpu.memory_space<vmem>>, vector<16xf32>,
    %get3A_283 = vector.shape_cast %get3A_282 : vector<16xf32> to vector<16xf32>
    %div3A_284 = arith.divf %sub3A_280, %get3A_283 : vector<16xf32>
    %swap3A_285 = arith.constant 144 : index
    %swap3A_286 = tpu.vector_load %arg16[%swap3A_285] {strides = array<i32>} : memref<512xf32, #tpu.memory_space<vmem>>, vector<16xf32>,
    %swap3A_287 = vector.shape_cast %swap3A_286 : vector<16xf32> to vector<16xf32>
    %swap3A_288 = vector.shape_cast %div3A_284 : vector<16xf32> to vector<16xf32>
    tpu.vector_store %arg16[%swap3A_285], %swap3A_288 {strides = array<i32>} : memref<512xf32, #tpu.memory_space<vmem>>, vector<16xf32>,
    %get3A_289 = arith.constant 160 : index
    %get3A_290 = tpu.vector_load %arg12[%get3A_289] {strides = array<i32>} : memref<512xf32, #tpu.memory_space<vmem>>, vector<16xf32>,
    %get3A_291 = vector.shape_cast %get3A_290 : vector<16xf32> to vector<16xf32>
    %mul3A_292 = arith.constant 0.899999976 : f32
    %mul3A_293 = vector.broadcast %mul3A_292 : f32 to vector<16xf32>
    %mul3A_294 = arith.mulf %get3A_291, %mul3A_293 : vector<16xf32>
    %get3A_295 = arith.constant 160 : index
    %get3A_296 = tpu.vector_load %arg14[%get3A_295] {strides = array<i32>} : memref<512xf32, #tpu.memory_space<vmem>>, vector<16xf32>,
    %get3A_297 = vector.shape_cast %get3A_296 : vector<16xf32> to vector<16xf32>
    %mul3A_298 = arith.constant 1.000000e-01 : f32
    %mul3A_299 = vector.broadcast %mul3A_298 : f32 to vector<16xf32>
    %mul3A_300 = arith.mulf %get3A_297, %mul3A_299 : vector<16xf32>
    %add3A_301 = arith.addf %mul3A_294, %mul3A_300 : vector<16xf32>
    %swap3A_302 = arith.constant 160 : index
    %swap3A_303 = tpu.vector_load %arg13[%swap3A_302] {strides = array<i32>} : memref<512xf32, #tpu.memory_space<vmem>>, vector<16xf32>,
    %swap3A_304 = vector.shape_cast %swap3A_303 : vector<16xf32> to vector<16xf32>
    %swap3A_305 = vector.shape_cast %add3A_301 : vector<16xf32> to vector<16xf32>
    tpu.vector_store %arg13[%swap3A_302], %swap3A_305 {strides = array<i32>} : memref<512xf32, #tpu.memory_space<vmem>>, vector<16xf32>,
    %mul3A_306 = arith.mulf %add3A_301, %get3A_18 : vector<16xf32>
    %sub3A_307 = arith.subf %mul3A_306, %get3A_21 : vector<16xf32>
    %get3A_308 = arith.constant 160 : index
    %get3A_309 = tpu.vector_load %arg15[%get3A_308] {strides = array<i32>} : memref<512xf32, #tpu.memory_space<vmem>>, vector<16xf32>,
    %get3A_310 = vector.shape_cast %get3A_309 : vector<16xf32> to vector<16xf32>
    %div3A_311 = arith.divf %sub3A_307, %get3A_310 : vector<16xf32>
    %swap3A_312 = arith.constant 160 : index
    %swap3A_313 = tpu.vector_load %arg16[%swap3A_312] {strides = array<i32>} : memref<512xf32, #tpu.memory_space<vmem>>, vector<16xf32>,
    %swap3A_314 = vector.shape_cast %swap3A_313 : vector<16xf32> to vector<16xf32>
    %swap3A_315 = vector.shape_cast %div3A_311 : vector<16xf32> to vector<16xf32>
    tpu.vector_store %arg16[%swap3A_312], %swap3A_315 {strides = array<i32>} : memref<512xf32, #tpu.memory_space<vmem>>, vector<16xf32>,
    %get3A_316 = arith.constant 176 : index
    %get3A_317 = tpu.vector_load %arg12[%get3A_316] {strides = array<i32>} : memref<512xf32, #tpu.memory_space<vmem>>, vector<16xf32>,
    %get3A_318 = vector.shape_cast %get3A_317 : vector<16xf32> to vector<16xf32>
    %mul3A_319 = arith.constant 0.899999976 : f32
    %mul3A_320 = vector.broadcast %mul3A_319 : f32 to vector<16xf32>
    %mul3A_321 = arith.mulf %get3A_318, %mul3A_320 : vector<16xf32>
    %get3A_322 = arith.constant 176 : index
    %get3A_323 = tpu.vector_load %arg14[%get3A_322] {strides = array<i32>} : memref<512xf32, #tpu.memory_space<vmem>>, vector<16xf32>,
    %get3A_324 = vector.shape_cast %get3A_323 : vector<16xf32> to vector<16xf32>
    %mul3A_325 = arith.constant 1.000000e-01 : f32
    %mul3A_326 = vector.broadcast %mul3A_325 : f32 to vector<16xf32>
    %mul3A_327 = arith.mulf %get3A_324, %mul3A_326 : vector<16xf32>
    %add3A_328 = arith.addf %mul3A_321, %mul3A_327 : vector<16xf32>
    %swap3A_329 = arith.constant 176 : index
    %swap3A_330 = tpu.vector_load %arg13[%swap3A_329] {strides = array<i32>} : memref<512xf32, #tpu.memory_space<vmem>>, vector<16xf32>,
    %swap3A_331 = vector.shape_cast %swap3A_330 : vector<16xf32> to vector<16xf32>
    %swap3A_332 = vector.shape_cast %add3A_328 : vector<16xf32> to vector<16xf32>
    tpu.vector_store %arg13[%swap3A_329], %swap3A_332 {strides = array<i32>} : memref<512xf32, #tpu.memory_space<vmem>>, vector<16xf32>,
    %mul3A_333 = arith.mulf %add3A_328, %get3A_18 : vector<16xf32>
    %sub3A_334 = arith.subf %mul3A_333, %get3A_21 : vector<16xf32>
    %get3A_335 = arith.constant 176 : index
    %get3A_336 = tpu.vector_load %arg15[%get3A_335] {strides = array<i32>} : memref<512xf32, #tpu.memory_space<vmem>>, vector<16xf32>,
    %get3A_337 = vector.shape_cast %get3A_336 : vector<16xf32> to vector<16xf32>
    %div3A_338 = arith.divf %sub3A_334, %get3A_337 : vector<16xf32>
    %swap3A_339 = arith.constant 176 : index
    %swap3A_340 = tpu.vector_load %arg16[%swap3A_339] {strides = array<i32>} : memref<512xf32, #tpu.memory_space<vmem>>, vector<16xf32>,
    %swap3A_341 = vector.shape_cast %swap3A_340 : vector<16xf32> to vector<16xf32>
    %swap3A_342 = vector.shape_cast %div3A_338 : vector<16xf32> to vector<16xf32>
    tpu.vector_store %arg16[%swap3A_339], %swap3A_342 {strides = array<i32>} : memref<512xf32, #tpu.memory_space<vmem>>, vector<16xf32>,
    %get3A_343 = arith.constant 192 : index
    %get3A_344 = tpu.vector_load %arg12[%get3A_343] {strides = array<i32>} : memref<512xf32, #tpu.memory_space<vmem>>, vector<16xf32>,
    %get3A_345 = vector.shape_cast %get3A_344 : vector<16xf32> to vector<16xf32>
    %mul3A_346 = arith.constant 0.899999976 : f32
    %mul3A_347 = vector.broadcast %mul3A_346 : f32 to vector<16xf32>
    %mul3A_348 = arith.mulf %get3A_345, %mul3A_347 : vector<16xf32>
    %get3A_349 = arith.constant 192 : index
    %get3A_350 = tpu.vector_load %arg14[%get3A_349] {strides = array<i32>} : memref<512xf32, #tpu.memory_space<vmem>>, vector<16xf32>,
    %get3A_351 = vector.shape_cast %get3A_350 : vector<16xf32> to vector<16xf32>
    %mul3A_352 = arith.constant 1.000000e-01 : f32
    %mul3A_353 = vector.broadcast %mul3A_352 : f32 to vector<16xf32>
    %mul3A_354 = arith.mulf %get3A_351, %mul3A_353 : vector<16xf32>
    %add3A_355 = arith.addf %mul3A_348, %mul3A_354 : vector<16xf32>
    %swap3A_356 = arith.constant 192 : index
    %swap3A_357 = tpu.vector_load %arg13[%swap3A_356] {strides = array<i32>} : memref<512xf32, #tpu.memory_space<vmem>>, vector<16xf32>,
    %swap3A_358 = vector.shape_cast %swap3A_357 : vector<16xf32> to vector<16xf32>
    %swap3A_359 = vector.shape_cast %add3A_355 : vector<16xf32> to vector<16xf32>
    tpu.vector_store %arg13[%swap3A_356], %swap3A_359 {strides = array<i32>} : memref<512xf32, #tpu.memory_space<vmem>>, vector<16xf32>,
    %mul3A_360 = arith.mulf %add3A_355, %get3A_18 : vector<16xf32>
    %sub3A_361 = arith.subf %mul3A_360, %get3A_21 : vector<16xf32>
    %get3A_362 = arith.constant 192 : index
    %get3A_363 = tpu.vector_load %arg15[%get3A_362] {strides = array<i32>} : memref<512xf32, #tpu.memory_space<vmem>>, vector<16xf32>,
    %get3A_364 = vector.shape_cast %get3A_363 : vector<16xf32> to vector<16xf32>
    %div3A_365 = arith.divf %sub3A_361, %get3A_364 : vector<16xf32>
    %swap3A_366 = arith.constant 192 : index
    %swap3A_367 = tpu.vector_load %arg16[%swap3A_366] {strides = array<i32>} : memref<512xf32, #tpu.memory_space<vmem>>, vector<16xf32>,
    %swap3A_368 = vector.shape_cast %swap3A_367 : vector<16xf32> to vector<16xf32>
    %swap3A_369 = vector.shape_cast %div3A_365 : vector<16xf32> to vector<16xf32>
    tpu.vector_store %arg16[%swap3A_366], %swap3A_369 {strides = array<i32>} : memref<512xf32, #tpu.memory_space<vmem>>, vector<16xf32>,
    %get3A_370 = arith.constant 208 : index
    %get3A_371 = tpu.vector_load %arg12[%get3A_370] {strides = array<i32>} : memref<512xf32, #tpu.memory_space<vmem>>, vector<16xf32>,
    %get3A_372 = vector.shape_cast %get3A_371 : vector<16xf32> to vector<16xf32>
    %mul3A_373 = arith.constant 0.899999976 : f32
    %mul3A_374 = vector.broadcast %mul3A_373 : f32 to vector<16xf32>
    %mul3A_375 = arith.mulf %get3A_372, %mul3A_374 : vector<16xf32>
    %get3A_376 = arith.constant 208 : index
    %get3A_377 = tpu.vector_load %arg14[%get3A_376] {strides = array<i32>} : memref<512xf32, #tpu.memory_space<vmem>>, vector<16xf32>,
    %get3A_378 = vector.shape_cast %get3A_377 : vector<16xf32> to vector<16xf32>
    %mul3A_379 = arith.constant 1.000000e-01 : f32
    %mul3A_380 = vector.broadcast %mul3A_379 : f32 to vector<16xf32>
    %mul3A_381 = arith.mulf %get3A_378, %mul3A_380 : vector<16xf32>
    %add3A_382 = arith.addf %mul3A_375, %mul3A_381 : vector<16xf32>
    %swap3A_383 = arith.constant 208 : index
    %swap3A_384 = tpu.vector_load %arg13[%swap3A_383] {strides = array<i32>} : memref<512xf32, #tpu.memory_space<vmem>>, vector<16xf32>,
    %swap3A_385 = vector.shape_cast %swap3A_384 : vector<16xf32> to vector<16xf32>
    %swap3A_386 = vector.shape_cast %add3A_382 : vector<16xf32> to vector<16xf32>
    tpu.vector_store %arg13[%swap3A_383], %swap3A_386 {strides = array<i32>} : memref<512xf32, #tpu.memory_space<vmem>>, vector<16xf32>,
    %mul3A_387 = arith.mulf %add3A_382, %get3A_18 : vector<16xf32>
    %sub3A_388 = arith.subf %mul3A_387, %get3A_21 : vector<16xf32>
    %get3A_389 = arith.constant 208 : index
    %get3A_390 = tpu.vector_load %arg15[%get3A_389] {strides = array<i32>} : memref<512xf32, #tpu.memory_space<vmem>>, vector<16xf32>,
    %get3A_391 = vector.shape_cast %get3A_390 : vector<16xf32> to vector<16xf32>
    %div3A_392 = arith.divf %sub3A_388, %get3A_391 : vector<16xf32>
    %swap3A_393 = arith.constant 208 : index
    %swap3A_394 = tpu.vector_load %arg16[%swap3A_393] {strides = array<i32>} : memref<512xf32, #tpu.memory_space<vmem>>, vector<16xf32>,
    %swap3A_395 = vector.shape_cast %swap3A_394 : vector<16xf32> to vector<16xf32>
    %swap3A_396 = vector.shape_cast %div3A_392 : vector<16xf32> to vector<16xf32>
    tpu.vector_store %arg16[%swap3A_393], %swap3A_396 {strides = array<i32>} : memref<512xf32, #tpu.memory_space<vmem>>, vector<16xf32>,
    %get3A_397 = arith.constant 224 : index
    %get3A_398 = tpu.vector_load %arg12[%get3A_397] {strides = array<i32>} : memref<512xf32, #tpu.memory_space<vmem>>, vector<16xf32>,
    %get3A_399 = vector.shape_cast %get3A_398 : vector<16xf32> to vector<16xf32>
    %mul3A_400 = arith.constant 0.899999976 : f32
    %mul3A_401 = vector.broadcast %mul3A_400 : f32 to vector<16xf32>
    %mul3A_402 = arith.mulf %get3A_399, %mul3A_401 : vector<16xf32>
    %get3A_403 = arith.constant 224 : index
    %get3A_404 = tpu.vector_load %arg14[%get3A_403] {strides = array<i32>} : memref<512xf32, #tpu.memory_space<vmem>>, vector<16xf32>,
    %get3A_405 = vector.shape_cast %get3A_404 : vector<16xf32> to vector<16xf32>
    %mul3A_406 = arith.constant 1.000000e-01 : f32
    %mul3A_407 = vector.broadcast %mul3A_406 : f32 to vector<16xf32>
    %mul3A_408 = arith.mulf %get3A_405, %mul3A_407 : vector<16xf32>
    %add3A_409 = arith.addf %mul3A_402, %mul3A_408 : vector<16xf32>
    %swap3A_410 = arith.constant 224 : index
    %swap3A_411 = tpu.vector_load %arg13[%swap3A_410] {strides = array<i32>} : memref<512xf32, #tpu.memory_space<vmem>>, vector<16xf32>,
    %swap3A_412 = vector.shape_cast %swap3A_411 : vector<16xf32> to vector<16xf32>
    %swap3A_413 = vector.shape_cast %add3A_409 : vector<16xf32> to vector<16xf32>
    tpu.vector_store %arg13[%swap3A_410], %swap3A_413 {strides = array<i32>} : memref<512xf32, #tpu.memory_space<vmem>>, vector<16xf32>,
    %mul3A_414 = arith.mulf %add3A_409, %get3A_18 : vector<16xf32>
    %sub3A_415 = arith.subf %mul3A_414, %get3A_21 : vector<16xf32>
    %get3A_416 = arith.constant 224 : index
    %get3A_417 = tpu.vector_load %arg15[%get3A_416] {strides = array<i32>} : memref<512xf32, #tpu.memory_space<vmem>>, vector<16xf32>,
    %get3A_418 = vector.shape_cast %get3A_417 : vector<16xf32> to vector<16xf32>
    %div3A_419 = arith.divf %sub3A_415, %get3A_418 : vector<16xf32>
    %swap3A_420 = arith.constant 224 : index
    %swap3A_421 = tpu.vector_load %arg16[%swap3A_420] {strides = array<i32>} : memref<512xf32, #tpu.memory_space<vmem>>, vector<16xf32>,
    %swap3A_422 = vector.shape_cast %swap3A_421 : vector<16xf32> to vector<16xf32>
    %swap3A_423 = vector.shape_cast %div3A_419 : vector<16xf32> to vector<16xf32>
    tpu.vector_store %arg16[%swap3A_420], %swap3A_423 {strides = array<i32>} : memref<512xf32, #tpu.memory_space<vmem>>, vector<16xf32>,
    %get3A_424 = arith.constant 240 : index
    %get3A_425 = tpu.vector_load %arg12[%get3A_424] {strides = array<i32>} : memref<512xf32, #tpu.memory_space<vmem>>, vector<16xf32>,
    %get3A_426 = vector.shape_cast %get3A_425 : vector<16xf32> to vector<16xf32>
    %mul3A_427 = arith.constant 0.899999976 : f32
    %mul3A_428 = vector.broadcast %mul3A_427 : f32 to vector<16xf32>
    %mul3A_429 = arith.mulf %get3A_426, %mul3A_428 : vector<16xf32>
    %get3A_430 = arith.constant 240 : index
    %get3A_431 = tpu.vector_load %arg14[%get3A_430] {strides = array<i32>} : memref<512xf32, #tpu.memory_space<vmem>>, vector<16xf32>,
    %get3A_432 = vector.shape_cast %get3A_431 : vector<16xf32> to vector<16xf32>
    %mul3A_433 = arith.constant 1.000000e-01 : f32
    %mul3A_434 = vector.broadcast %mul3A_433 : f32 to vector<16xf32>
    %mul3A_435 = arith.mulf %get3A_432, %mul3A_434 : vector<16xf32>
    %add3A_436 = arith.addf %mul3A_429, %mul3A_435 : vector<16xf32>
    %swap3A_437 = arith.constant 240 : index
    %swap3A_438 = tpu.vector_load %arg13[%swap3A_437] {strides = array<i32>} : memref<512xf32, #tpu.memory_space<vmem>>, vector<16xf32>,
    %swap3A_439 = vector.shape_cast %swap3A_438 : vector<16xf32> to vector<16xf32>
    %swap3A_440 = vector.shape_cast %add3A_436 : vector<16xf32> to vector<16xf32>
    tpu.vector_store %arg13[%swap3A_437], %swap3A_440 {strides = array<i32>} : memref<512xf32, #tpu.memory_space<vmem>>, vector<16xf32>,
    %mul3A_441 = arith.mulf %add3A_436, %get3A_18 : vector<16xf32>
    %sub3A_442 = arith.subf %mul3A_441, %get3A_21 : vector<16xf32>
    %get3A_443 = arith.constant 240 : index
    %get3A_444 = tpu.vector_load %arg15[%get3A_443] {strides = array<i32>} : memref<512xf32, #tpu.memory_space<vmem>>, vector<16xf32>,
    %get3A_445 = vector.shape_cast %get3A_444 : vector<16xf32> to vector<16xf32>
    %div3A_446 = arith.divf %sub3A_442, %get3A_445 : vector<16xf32>
    %swap3A_447 = arith.constant 240 : index
    %swap3A_448 = tpu.vector_load %arg16[%swap3A_447] {strides = array<i32>} : memref<512xf32, #tpu.memory_space<vmem>>, vector<16xf32>,
    %swap3A_449 = vector.shape_cast %swap3A_448 : vector<16xf32> to vector<16xf32>
    %swap3A_450 = vector.shape_cast %div3A_446 : vector<16xf32> to vector<16xf32>
    tpu.vector_store %arg16[%swap3A_447], %swap3A_450 {strides = array<i32>} : memref<512xf32, #tpu.memory_space<vmem>>, vector<16xf32>,
    %get3A_451 = arith.constant 256 : index
    %get3A_452 = tpu.vector_load %arg12[%get3A_451] {strides = array<i32>} : memref<512xf32, #tpu.memory_space<vmem>>, vector<16xf32>,
    %get3A_453 = vector.shape_cast %get3A_452 : vector<16xf32> to vector<16xf32>
    %mul3A_454 = arith.constant 0.899999976 : f32
    %mul3A_455 = vector.broadcast %mul3A_454 : f32 to vector<16xf32>
    %mul3A_456 = arith.mulf %get3A_453, %mul3A_455 : vector<16xf32>
    %get3A_457 = arith.constant 256 : index
    %get3A_458 = tpu.vector_load %arg14[%get3A_457] {strides = array<i32>} : memref<512xf32, #tpu.memory_space<vmem>>, vector<16xf32>,
    %get3A_459 = vector.shape_cast %get3A_458 : vector<16xf32> to vector<16xf32>
    %mul3A_460 = arith.constant 1.000000e-01 : f32
    %mul3A_461 = vector.broadcast %mul3A_460 : f32 to vector<16xf32>
    %mul3A_462 = arith.mulf %get3A_459, %mul3A_461 : vector<16xf32>
    %add3A_463 = arith.addf %mul3A_456, %mul3A_462 : vector<16xf32>
    %swap3A_464 = arith.constant 256 : index
    %swap3A_465 = tpu.vector_load %arg13[%swap3A_464] {strides = array<i32>} : memref<512xf32, #tpu.memory_space<vmem>>, vector<16xf32>,
    %swap3A_466 = vector.shape_cast %swap3A_465 : vector<16xf32> to vector<16xf32>
    %swap3A_467 = vector.shape_cast %add3A_463 : vector<16xf32> to vector<16xf32>
    tpu.vector_store %arg13[%swap3A_464], %swap3A_467 {strides = array<i32>} : memref<512xf32, #tpu.memory_space<vmem>>, vector<16xf32>,
    %mul3A_468 = arith.mulf %add3A_463, %get3A_18 : vector<16xf32>
    %sub3A_469 = arith.subf %mul3A_468, %get3A_21 : vector<16xf32>
    %get3A_470 = arith.constant 256 : index
    %get3A_471 = tpu.vector_load %arg15[%get3A_470] {strides = array<i32>} : memref<512xf32, #tpu.memory_space<vmem>>, vector<16xf32>,
    %get3A_472 = vector.shape_cast %get3A_471 : vector<16xf32> to vector<16xf32>
    %div3A_473 = arith.divf %sub3A_469, %get3A_472 : vector<16xf32>
    %swap3A_474 = arith.constant 256 : index
    %swap3A_475 = tpu.vector_load %arg16[%swap3A_474] {strides = array<i32>} : memref<512xf32, #tpu.memory_space<vmem>>, vector<16xf32>,
    %swap3A_476 = vector.shape_cast %swap3A_475 : vector<16xf32> to vector<16xf32>
    %swap3A_477 = vector.shape_cast %div3A_473 : vector<16xf32> to vector<16xf32>
    tpu.vector_store %arg16[%swap3A_474], %swap3A_477 {strides = array<i32>} : memref<512xf32, #tpu.memory_space<vmem>>, vector<16xf32>,
    %get3A_478 = arith.constant 272 : index
    %get3A_479 = tpu.vector_load %arg12[%get3A_478] {strides = array<i32>} : memref<512xf32, #tpu.memory_space<vmem>>, vector<16xf32>,
    %get3A_480 = vector.shape_cast %get3A_479 : vector<16xf32> to vector<16xf32>
    %mul3A_481 = arith.constant 0.899999976 : f32
    %mul3A_482 = vector.broadcast %mul3A_481 : f32 to vector<16xf32>
    %mul3A_483 = arith.mulf %get3A_480, %mul3A_482 : vector<16xf32>
    %get3A_484 = arith.constant 272 : index
    %get3A_485 = tpu.vector_load %arg14[%get3A_484] {strides = array<i32>} : memref<512xf32, #tpu.memory_space<vmem>>, vector<16xf32>,
    %get3A_486 = vector.shape_cast %get3A_485 : vector<16xf32> to vector<16xf32>
    %mul3A_487 = arith.constant 1.000000e-01 : f32
    %mul3A_488 = vector.broadcast %mul3A_487 : f32 to vector<16xf32>
    %mul3A_489 = arith.mulf %get3A_486, %mul3A_488 : vector<16xf32>
    %add3A_490 = arith.addf %mul3A_483, %mul3A_489 : vector<16xf32>
    %swap3A_491 = arith.constant 272 : index
    %swap3A_492 = tpu.vector_load %arg13[%swap3A_491] {strides = array<i32>} : memref<512xf32, #tpu.memory_space<vmem>>, vector<16xf32>,
    %swap3A_493 = vector.shape_cast %swap3A_492 : vector<16xf32> to vector<16xf32>
    %swap3A_494 = vector.shape_cast %add3A_490 : vector<16xf32> to vector<16xf32>
    tpu.vector_store %arg13[%swap3A_491], %swap3A_494 {strides = array<i32>} : memref<512xf32, #tpu.memory_space<vmem>>, vector<16xf32>,
    %mul3A_495 = arith.mulf %add3A_490, %get3A_18 : vector<16xf32>
    %sub3A_496 = arith.subf %mul3A_495, %get3A_21 : vector<16xf32>
    %get3A_497 = arith.constant 272 : index
    %get3A_498 = tpu.vector_load %arg15[%get3A_497] {strides = array<i32>} : memref<512xf32, #tpu.memory_space<vmem>>, vector<16xf32>,
    %get3A_499 = vector.shape_cast %get3A_498 : vector<16xf32> to vector<16xf32>
    %div3A_500 = arith.divf %sub3A_496, %get3A_499 : vector<16xf32>
    %swap3A_501 = arith.constant 272 : index
    %swap3A_502 = tpu.vector_load %arg16[%swap3A_501] {strides = array<i32>} : memref<512xf32, #tpu.memory_space<vmem>>, vector<16xf32>,
    %swap3A_503 = vector.shape_cast %swap3A_502 : vector<16xf32> to vector<16xf32>
    %swap3A_504 = vector.shape_cast %div3A_500 : vector<16xf32> to vector<16xf32>
    tpu.vector_store %arg16[%swap3A_501], %swap3A_504 {strides = array<i32>} : memref<512xf32, #tpu.memory_space<vmem>>, vector<16xf32>,
    %get3A_505 = arith.constant 288 : index
    %get3A_506 = tpu.vector_load %arg12[%get3A_505] {strides = array<i32>} : memref<512xf32, #tpu.memory_space<vmem>>, vector<16xf32>,
    %get3A_507 = vector.shape_cast %get3A_506 : vector<16xf32> to vector<16xf32>
    %mul3A_508 = arith.constant 0.899999976 : f32
    %mul3A_509 = vector.broadcast %mul3A_508 : f32 to vector<16xf32>
    %mul3A_510 = arith.mulf %get3A_507, %mul3A_509 : vector<16xf32>
    %get3A_511 = arith.constant 288 : index
    %get3A_512 = tpu.vector_load %arg14[%get3A_511] {strides = array<i32>} : memref<512xf32, #tpu.memory_space<vmem>>, vector<16xf32>,
    %get3A_513 = vector.shape_cast %get3A_512 : vector<16xf32> to vector<16xf32>
    %mul3A_514 = arith.constant 1.000000e-01 : f32
    %mul3A_515 = vector.broadcast %mul3A_514 : f32 to vector<16xf32>
    %mul3A_516 = arith.mulf %get3A_513, %mul3A_515 : vector<16xf32>
    %add3A_517 = arith.addf %mul3A_510, %mul3A_516 : vector<16xf32>
    %swap3A_518 = arith.constant 288 : index
    %swap3A_519 = tpu.vector_load %arg13[%swap3A_518] {strides = array<i32>} : memref<512xf32, #tpu.memory_space<vmem>>, vector<16xf32>,
    %swap3A_520 = vector.shape_cast %swap3A_519 : vector<16xf32> to vector<16xf32>
    %swap3A_521 = vector.shape_cast %add3A_517 : vector<16xf32> to vector<16xf32>
    tpu.vector_store %arg13[%swap3A_518], %swap3A_521 {strides = array<i32>} : memref<512xf32, #tpu.memory_space<vmem>>, vector<16xf32>,
    %mul3A_522 = arith.mulf %add3A_517, %get3A_18 : vector<16xf32>
    %sub3A_523 = arith.subf %mul3A_522, %get3A_21 : vector<16xf32>
    %get3A_524 = arith.constant 288 : index
    %get3A_525 = tpu.vector_load %arg15[%get3A_524] {strides = array<i32>} : memref<512xf32, #tpu.memory_space<vmem>>, vector<16xf32>,
    %get3A_526 = vector.shape_cast %get3A_525 : vector<16xf32> to vector<16xf32>
    %div3A_527 = arith.divf %sub3A_523, %get3A_526 : vector<16xf32>
    %swap3A_528 = arith.constant 288 : index
    %swap3A_529 = tpu.vector_load %arg16[%swap3A_528] {strides = array<i32>} : memref<512xf32, #tpu.memory_space<vmem>>, vector<16xf32>,
    %swap3A_530 = vector.shape_cast %swap3A_529 : vector<16xf32> to vector<16xf32>
    %swap3A_531 = vector.shape_cast %div3A_527 : vector<16xf32> to vector<16xf32>
    tpu.vector_store %arg16[%swap3A_528], %swap3A_531 {strides = array<i32>} : memref<512xf32, #tpu.memory_space<vmem>>, vector<16xf32>,
    %get3A_532 = arith.constant 304 : index
    %get3A_533 = tpu.vector_load %arg12[%get3A_532] {strides = array<i32>} : memref<512xf32, #tpu.memory_space<vmem>>, vector<16xf32>,
    %get3A_534 = vector.shape_cast %get3A_533 : vector<16xf32> to vector<16xf32>
    %mul3A_535 = arith.constant 0.899999976 : f32
    %mul3A_536 = vector.broadcast %mul3A_535 : f32 to vector<16xf32>
    %mul3A_537 = arith.mulf %get3A_534, %mul3A_536 : vector<16xf32>
    %get3A_538 = arith.constant 304 : index
    %get3A_539 = tpu.vector_load %arg14[%get3A_538] {strides = array<i32>} : memref<512xf32, #tpu.memory_space<vmem>>, vector<16xf32>,
    %get3A_540 = vector.shape_cast %get3A_539 : vector<16xf32> to vector<16xf32>
    %mul3A_541 = arith.constant 1.000000e-01 : f32
    %mul3A_542 = vector.broadcast %mul3A_541 : f32 to vector<16xf32>
    %mul3A_543 = arith.mulf %get3A_540, %mul3A_542 : vector<16xf32>
    %add3A_544 = arith.addf %mul3A_537, %mul3A_543 : vector<16xf32>
    %swap3A_545 = arith.constant 304 : index
    %swap3A_546 = tpu.vector_load %arg13[%swap3A_545] {strides = array<i32>} : memref<512xf32, #tpu.memory_space<vmem>>, vector<16xf32>,
    %swap3A_547 = vector.shape_cast %swap3A_546 : vector<16xf32> to vector<16xf32>
    %swap3A_548 = vector.shape_cast %add3A_544 : vector<16xf32> to vector<16xf32>
    tpu.vector_store %arg13[%swap3A_545], %swap3A_548 {strides = array<i32>} : memref<512xf32, #tpu.memory_space<vmem>>, vector<16xf32>,
    %mul3A_549 = arith.mulf %add3A_544, %get3A_18 : vector<16xf32>
    %sub3A_550 = arith.subf %mul3A_549, %get3A_21 : vector<16xf32>
    %get3A_551 = arith.constant 304 : index
    %get3A_552 = tpu.vector_load %arg15[%get3A_551] {strides = array<i32>} : memref<512xf32, #tpu.memory_space<vmem>>, vector<16xf32>,
    %get3A_553 = vector.shape_cast %get3A_552 : vector<16xf32> to vector<16xf32>
    %div3A_554 = arith.divf %sub3A_550, %get3A_553 : vector<16xf32>
    %swap3A_555 = arith.constant 304 : index
    %swap3A_556 = tpu.vector_load %arg16[%swap3A_555] {strides = array<i32>} : memref<512xf32, #tpu.memory_space<vmem>>, vector<16xf32>,
    %swap3A_557 = vector.shape_cast %swap3A_556 : vector<16xf32> to vector<16xf32>
    %swap3A_558 = vector.shape_cast %div3A_554 : vector<16xf32> to vector<16xf32>
    tpu.vector_store %arg16[%swap3A_555], %swap3A_558 {strides = array<i32>} : memref<512xf32, #tpu.memory_space<vmem>>, vector<16xf32>,
    %get3A_559 = arith.constant 320 : index
    %get3A_560 = tpu.vector_load %arg12[%get3A_559] {strides = array<i32>} : memref<512xf32, #tpu.memory_space<vmem>>, vector<16xf32>,
    %get3A_561 = vector.shape_cast %get3A_560 : vector<16xf32> to vector<16xf32>
    %mul3A_562 = arith.constant 0.899999976 : f32
    %mul3A_563 = vector.broadcast %mul3A_562 : f32 to vector<16xf32>
    %mul3A_564 = arith.mulf %get3A_561, %mul3A_563 : vector<16xf32>
    %get3A_565 = arith.constant 320 : index
    %get3A_566 = tpu.vector_load %arg14[%get3A_565] {strides = array<i32>} : memref<512xf32, #tpu.memory_space<vmem>>, vector<16xf32>,
    %get3A_567 = vector.shape_cast %get3A_566 : vector<16xf32> to vector<16xf32>
    %mul3A_568 = arith.constant 1.000000e-01 : f32
    %mul3A_569 = vector.broadcast %mul3A_568 : f32 to vector<16xf32>
    %mul3A_570 = arith.mulf %get3A_567, %mul3A_569 : vector<16xf32>
    %add3A_571 = arith.addf %mul3A_564, %mul3A_570 : vector<16xf32>
    %swap3A_572 = arith.constant 320 : index
    %swap3A_573 = tpu.vector_load %arg13[%swap3A_572] {strides = array<i32>} : memref<512xf32, #tpu.memory_space<vmem>>, vector<16xf32>,
    %swap3A_574 = vector.shape_cast %swap3A_573 : vector<16xf32> to vector<16xf32>
    %swap3A_575 = vector.shape_cast %add3A_571 : vector<16xf32> to vector<16xf32>
    tpu.vector_store %arg13[%swap3A_572], %swap3A_575 {strides = array<i32>} : memref<512xf32, #tpu.memory_space<vmem>>, vector<16xf32>,
    %mul3A_576 = arith.mulf %add3A_571, %get3A_18 : vector<16xf32>
    %sub3A_577 = arith.subf %mul3A_576, %get3A_21 : vector<16xf32>
    %get3A_578 = arith.constant 320 : index
    %get3A_579 = tpu.vector_load %arg15[%get3A_578] {strides = array<i32>} : memref<512xf32, #tpu.memory_space<vmem>>, vector<16xf32>,
    %get3A_580 = vector.shape_cast %get3A_579 : vector<16xf32> to vector<16xf32>
    %div3A_581 = arith.divf %sub3A_577, %get3A_580 : vector<16xf32>
    %swap3A_582 = arith.constant 320 : index
    %swap3A_583 = tpu.vector_load %arg16[%swap3A_582] {strides = array<i32>} : memref<512xf32, #tpu.memory_space<vmem>>, vector<16xf32>,
    %swap3A_584 = vector.shape_cast %swap3A_583 : vector<16xf32> to vector<16xf32>
    %swap3A_585 = vector.shape_cast %div3A_581 : vector<16xf32> to vector<16xf32>
    tpu.vector_store %arg16[%swap3A_582], %swap3A_585 {strides = array<i32>} : memref<512xf32, #tpu.memory_space<vmem>>, vector<16xf32>,
    %get3A_586 = arith.constant 336 : index
    %get3A_587 = tpu.vector_load %arg12[%get3A_586] {strides = array<i32>} : memref<512xf32, #tpu.memory_space<vmem>>, vector<16xf32>,
    %get3A_588 = vector.shape_cast %get3A_587 : vector<16xf32> to vector<16xf32>
    %mul3A_589 = arith.constant 0.899999976 : f32
    %mul3A_590 = vector.broadcast %mul3A_589 : f32 to vector<16xf32>
    %mul3A_591 = arith.mulf %get3A_588, %mul3A_590 : vector<16xf32>
    %get3A_592 = arith.constant 336 : index
    %get3A_593 = tpu.vector_load %arg14[%get3A_592] {strides = array<i32>} : memref<512xf32, #tpu.memory_space<vmem>>, vector<16xf32>,
    %get3A_594 = vector.shape_cast %get3A_593 : vector<16xf32> to vector<16xf32>
    %mul3A_595 = arith.constant 1.000000e-01 : f32
    %mul3A_596 = vector.broadcast %mul3A_595 : f32 to vector<16xf32>
    %mul3A_597 = arith.mulf %get3A_594, %mul3A_596 : vector<16xf32>
    %add3A_598 = arith.addf %mul3A_591, %mul3A_597 : vector<16xf32>
    %swap3A_599 = arith.constant 336 : index
    %swap3A_600 = tpu.vector_load %arg13[%swap3A_599] {strides = array<i32>} : memref<512xf32, #tpu.memory_space<vmem>>, vector<16xf32>,
    %swap3A_601 = vector.shape_cast %swap3A_600 : vector<16xf32> to vector<16xf32>
    %swap3A_602 = vector.shape_cast %add3A_598 : vector<16xf32> to vector<16xf32>
    tpu.vector_store %arg13[%swap3A_599], %swap3A_602 {strides = array<i32>} : memref<512xf32, #tpu.memory_space<vmem>>, vector<16xf32>,
    %mul3A_603 = arith.mulf %add3A_598, %get3A_18 : vector<16xf32>
    %sub3A_604 = arith.subf %mul3A_603, %get3A_21 : vector<16xf32>
    %get3A_605 = arith.constant 336 : index
    %get3A_606 = tpu.vector_load %arg15[%get3A_605] {strides = array<i32>} : memref<512xf32, #tpu.memory_space<vmem>>, vector<16xf32>,
    %get3A_607 = vector.shape_cast %get3A_606 : vector<16xf32> to vector<16xf32>
    %div3A_608 = arith.divf %sub3A_604, %get3A_607 : vector<16xf32>
    %swap3A_609 = arith.constant 336 : index
    %swap3A_610 = tpu.vector_load %arg16[%swap3A_609] {strides = array<i32>} : memref<512xf32, #tpu.memory_space<vmem>>, vector<16xf32>,
    %swap3A_611 = vector.shape_cast %swap3A_610 : vector<16xf32> to vector<16xf32>
    %swap3A_612 = vector.shape_cast %div3A_608 : vector<16xf32> to vector<16xf32>
    tpu.vector_store %arg16[%swap3A_609], %swap3A_612 {strides = array<i32>} : memref<512xf32, #tpu.memory_space<vmem>>, vector<16xf32>,
    %get3A_613 = arith.constant 352 : index
    %get3A_614 = tpu.vector_load %arg12[%get3A_613] {strides = array<i32>} : memref<512xf32, #tpu.memory_space<vmem>>, vector<16xf32>,
    %get3A_615 = vector.shape_cast %get3A_614 : vector<16xf32> to vector<16xf32>
    %mul3A_616 = arith.constant 0.899999976 : f32
    %mul3A_617 = vector.broadcast %mul3A_616 : f32 to vector<16xf32>
    %mul3A_618 = arith.mulf %get3A_615, %mul3A_617 : vector<16xf32>
    %get3A_619 = arith.constant 352 : index
    %get3A_620 = tpu.vector_load %arg14[%get3A_619] {strides = array<i32>} : memref<512xf32, #tpu.memory_space<vmem>>, vector<16xf32>,
    %get3A_621 = vector.shape_cast %get3A_620 : vector<16xf32> to vector<16xf32>
    %mul3A_622 = arith.constant 1.000000e-01 : f32
    %mul3A_623 = vector.broadcast %mul3A_622 : f32 to vector<16xf32>
    %mul3A_624 = arith.mulf %get3A_621, %mul3A_623 : vector<16xf32>
    %add3A_625 = arith.addf %mul3A_618, %mul3A_624 : vector<16xf32>
    %swap3A_626 = arith.constant 352 : index
    %swap3A_627 = tpu.vector_load %arg13[%swap3A_626] {strides = array<i32>} : memref<512xf32, #tpu.memory_space<vmem>>, vector<16xf32>,
    %swap3A_628 = vector.shape_cast %swap3A_627 : vector<16xf32> to vector<16xf32>
    %swap3A_629 = vector.shape_cast %add3A_625 : vector<16xf32> to vector<16xf32>
    tpu.vector_store %arg13[%swap3A_626], %swap3A_629 {strides = array<i32>} : memref<512xf32, #tpu.memory_space<vmem>>, vector<16xf32>,
    %mul3A_630 = arith.mulf %add3A_625, %get3A_18 : vector<16xf32>
    %sub3A_631 = arith.subf %mul3A_630, %get3A_21 : vector<16xf32>
    %get3A_632 = arith.constant 352 : index
    %get3A_633 = tpu.vector_load %arg15[%get3A_632] {strides = array<i32>} : memref<512xf32, #tpu.memory_space<vmem>>, vector<16xf32>,
    %get3A_634 = vector.shape_cast %get3A_633 : vector<16xf32> to vector<16xf32>
    %div3A_635 = arith.divf %sub3A_631, %get3A_634 : vector<16xf32>
    %swap3A_636 = arith.constant 352 : index
    %swap3A_637 = tpu.vector_load %arg16[%swap3A_636] {strides = array<i32>} : memref<512xf32, #tpu.memory_space<vmem>>, vector<16xf32>,
    %swap3A_638 = vector.shape_cast %swap3A_637 : vector<16xf32> to vector<16xf32>
    %swap3A_639 = vector.shape_cast %div3A_635 : vector<16xf32> to vector<16xf32>
    tpu.vector_store %arg16[%swap3A_636], %swap3A_639 {strides = array<i32>} : memref<512xf32, #tpu.memory_space<vmem>>, vector<16xf32>,
    %get3A_640 = arith.constant 368 : index
    %get3A_641 = tpu.vector_load %arg12[%get3A_640] {strides = array<i32>} : memref<512xf32, #tpu.memory_space<vmem>>, vector<16xf32>,
    %get3A_642 = vector.shape_cast %get3A_641 : vector<16xf32> to vector<16xf32>
    %mul3A_643 = arith.constant 0.899999976 : f32
    %mul3A_644 = vector.broadcast %mul3A_643 : f32 to vector<16xf32>
    %mul3A_645 = arith.mulf %get3A_642, %mul3A_644 : vector<16xf32>
    %get3A_646 = arith.constant 368 : index
    %get3A_647 = tpu.vector_load %arg14[%get3A_646] {strides = array<i32>} : memref<512xf32, #tpu.memory_space<vmem>>, vector<16xf32>,
    %get3A_648 = vector.shape_cast %get3A_647 : vector<16xf32> to vector<16xf32>
    %mul3A_649 = arith.constant 1.000000e-01 : f32
    %mul3A_650 = vector.broadcast %mul3A_649 : f32 to vector<16xf32>
    %mul3A_651 = arith.mulf %get3A_648, %mul3A_650 : vector<16xf32>
    %add3A_652 = arith.addf %mul3A_645, %mul3A_651 : vector<16xf32>
    %swap3A_653 = arith.constant 368 : index
    %swap3A_654 = tpu.vector_load %arg13[%swap3A_653] {strides = array<i32>} : memref<512xf32, #tpu.memory_space<vmem>>, vector<16xf32>,
    %swap3A_655 = vector.shape_cast %swap3A_654 : vector<16xf32> to vector<16xf32>
    %swap3A_656 = vector.shape_cast %add3A_652 : vector<16xf32> to vector<16xf32>
    tpu.vector_store %arg13[%swap3A_653], %swap3A_656 {strides = array<i32>} : memref<512xf32, #tpu.memory_space<vmem>>, vector<16xf32>,
    %mul3A_657 = arith.mulf %add3A_652, %get3A_18 : vector<16xf32>
    %sub3A_658 = arith.subf %mul3A_657, %get3A_21 : vector<16xf32>
    %get3A_659 = arith.constant 368 : index
    %get3A_660 = tpu.vector_load %arg15[%get3A_659] {strides = array<i32>} : memref<512xf32, #tpu.memory_space<vmem>>, vector<16xf32>,
    %get3A_661 = vector.shape_cast %get3A_660 : vector<16xf32> to vector<16xf32>
    %div3A_662 = arith.divf %sub3A_658, %get3A_661 : vector<16xf32>
    %swap3A_663 = arith.constant 368 : index
    %swap3A_664 = tpu.vector_load %arg16[%swap3A_663] {strides = array<i32>} : memref<512xf32, #tpu.memory_space<vmem>>, vector<16xf32>,
    %swap3A_665 = vector.shape_cast %swap3A_664 : vector<16xf32> to vector<16xf32>
    %swap3A_666 = vector.shape_cast %div3A_662 : vector<16xf32> to vector<16xf32>
    tpu.vector_store %arg16[%swap3A_663], %swap3A_666 {strides = array<i32>} : memref<512xf32, #tpu.memory_space<vmem>>, vector<16xf32>,
    %get3A_667 = arith.constant 384 : index
    %get3A_668 = tpu.vector_load %arg12[%get3A_667] {strides = array<i32>} : memref<512xf32, #tpu.memory_space<vmem>>, vector<16xf32>,
    %get3A_669 = vector.shape_cast %get3A_668 : vector<16xf32> to vector<16xf32>
    %mul3A_670 = arith.constant 0.899999976 : f32
    %mul3A_671 = vector.broadcast %mul3A_670 : f32 to vector<16xf32>
    %mul3A_672 = arith.mulf %get3A_669, %mul3A_671 : vector<16xf32>
    %get3A_673 = arith.constant 384 : index
    %get3A_674 = tpu.vector_load %arg14[%get3A_673] {strides = array<i32>} : memref<512xf32, #tpu.memory_space<vmem>>, vector<16xf32>,
    %get3A_675 = vector.shape_cast %get3A_674 : vector<16xf32> to vector<16xf32>
    %mul3A_676 = arith.constant 1.000000e-01 : f32
    %mul3A_677 = vector.broadcast %mul3A_676 : f32 to vector<16xf32>
    %mul3A_678 = arith.mulf %get3A_675, %mul3A_677 : vector<16xf32>
    %add3A_679 = arith.addf %mul3A_672, %mul3A_678 : vector<16xf32>
    %swap3A_680 = arith.constant 384 : index
    %swap3A_681 = tpu.vector_load %arg13[%swap3A_680] {strides = array<i32>} : memref<512xf32, #tpu.memory_space<vmem>>, vector<16xf32>,
    %swap3A_682 = vector.shape_cast %swap3A_681 : vector<16xf32> to vector<16xf32>
    %swap3A_683 = vector.shape_cast %add3A_679 : vector<16xf32> to vector<16xf32>
    tpu.vector_store %arg13[%swap3A_680], %swap3A_683 {strides = array<i32>} : memref<512xf32, #tpu.memory_space<vmem>>, vector<16xf32>,
    %mul3A_684 = arith.mulf %add3A_679, %get3A_18 : vector<16xf32>
    %sub3A_685 = arith.subf %mul3A_684, %get3A_21 : vector<16xf32>
    %get3A_686 = arith.constant 384 : index
    %get3A_687 = tpu.vector_load %arg15[%get3A_686] {strides = array<i32>} : memref<512xf32, #tpu.memory_space<vmem>>, vector<16xf32>,
    %get3A_688 = vector.shape_cast %get3A_687 : vector<16xf32> to vector<16xf32>
    %div3A_689 = arith.divf %sub3A_685, %get3A_688 : vector<16xf32>
    %swap3A_690 = arith.constant 384 : index
    %swap3A_691 = tpu.vector_load %arg16[%swap3A_690] {strides = array<i32>} : memref<512xf32, #tpu.memory_space<vmem>>, vector<16xf32>,
    %swap3A_692 = vector.shape_cast %swap3A_691 : vector<16xf32> to vector<16xf32>
    %swap3A_693 = vector.shape_cast %div3A_689 : vector<16xf32> to vector<16xf32>
    tpu.vector_store %arg16[%swap3A_690], %swap3A_693 {strides = array<i32>} : memref<512xf32, #tpu.memory_space<vmem>>, vector<16xf32>,
    %get3A_694 = arith.constant 400 : index
    %get3A_695 = tpu.vector_load %arg12[%get3A_694] {strides = array<i32>} : memref<512xf32, #tpu.memory_space<vmem>>, vector<16xf32>,
    %get3A_696 = vector.shape_cast %get3A_695 : vector<16xf32> to vector<16xf32>
    %mul3A_697 = arith.constant 0.899999976 : f32
    %mul3A_698 = vector.broadcast %mul3A_697 : f32 to vector<16xf32>
    %mul3A_699 = arith.mulf %get3A_696, %mul3A_698 : vector<16xf32>
    %get3A_700 = arith.constant 400 : index
    %get3A_701 = tpu.vector_load %arg14[%get3A_700] {strides = array<i32>} : memref<512xf32, #tpu.memory_space<vmem>>, vector<16xf32>,
    %get3A_702 = vector.shape_cast %get3A_701 : vector<16xf32> to vector<16xf32>
    %mul3A_703 = arith.constant 1.000000e-01 : f32
    %mul3A_704 = vector.broadcast %mul3A_703 : f32 to vector<16xf32>
    %mul3A_705 = arith.mulf %get3A_702, %mul3A_704 : vector<16xf32>
    %add3A_706 = arith.addf %mul3A_699, %mul3A_705 : vector<16xf32>
    %swap3A_707 = arith.constant 400 : index
    %swap3A_708 = tpu.vector_load %arg13[%swap3A_707] {strides = array<i32>} : memref<512xf32, #tpu.memory_space<vmem>>, vector<16xf32>,
    %swap3A_709 = vector.shape_cast %swap3A_708 : vector<16xf32> to vector<16xf32>
    %swap3A_710 = vector.shape_cast %add3A_706 : vector<16xf32> to vector<16xf32>
    tpu.vector_store %arg13[%swap3A_707], %swap3A_710 {strides = array<i32>} : memref<512xf32, #tpu.memory_space<vmem>>, vector<16xf32>,
    %mul3A_711 = arith.mulf %add3A_706, %get3A_18 : vector<16xf32>
    %sub3A_712 = arith.subf %mul3A_711, %get3A_21 : vector<16xf32>
    %get3A_713 = arith.constant 400 : index
    %get3A_714 = tpu.vector_load %arg15[%get3A_713] {strides = array<i32>} : memref<512xf32, #tpu.memory_space<vmem>>, vector<16xf32>,
    %get3A_715 = vector.shape_cast %get3A_714 : vector<16xf32> to vector<16xf32>
    %div3A_716 = arith.divf %sub3A_712, %get3A_715 : vector<16xf32>
    %swap3A_717 = arith.constant 400 : index
    %swap3A_718 = tpu.vector_load %arg16[%swap3A_717] {strides = array<i32>} : memref<512xf32, #tpu.memory_space<vmem>>, vector<16xf32>,
    %swap3A_719 = vector.shape_cast %swap3A_718 : vector<16xf32> to vector<16xf32>
    %swap3A_720 = vector.shape_cast %div3A_716 : vector<16xf32> to vector<16xf32>
    tpu.vector_store %arg16[%swap3A_717], %swap3A_720 {strides = array<i32>} : memref<512xf32, #tpu.memory_space<vmem>>, vector<16xf32>,
    %get3A_721 = arith.constant 416 : index
    %get3A_722 = tpu.vector_load %arg12[%get3A_721] {strides = array<i32>} : memref<512xf32, #tpu.memory_space<vmem>>, vector<16xf32>,
    %get3A_723 = vector.shape_cast %get3A_722 : vector<16xf32> to vector<16xf32>
    %mul3A_724 = arith.constant 0.899999976 : f32
    %mul3A_725 = vector.broadcast %mul3A_724 : f32 to vector<16xf32>
    %mul3A_726 = arith.mulf %get3A_723, %mul3A_725 : vector<16xf32>
    %get3A_727 = arith.constant 416 : index
    %get3A_728 = tpu.vector_load %arg14[%get3A_727] {strides = array<i32>} : memref<512xf32, #tpu.memory_space<vmem>>, vector<16xf32>,
    %get3A_729 = vector.shape_cast %get3A_728 : vector<16xf32> to vector<16xf32>
    %mul3A_730 = arith.constant 1.000000e-01 : f32
    %mul3A_731 = vector.broadcast %mul3A_730 : f32 to vector<16xf32>
    %mul3A_732 = arith.mulf %get3A_729, %mul3A_731 : vector<16xf32>
    %add3A_733 = arith.addf %mul3A_726, %mul3A_732 : vector<16xf32>
    %swap3A_734 = arith.constant 416 : index
    %swap3A_735 = tpu.vector_load %arg13[%swap3A_734] {strides = array<i32>} : memref<512xf32, #tpu.memory_space<vmem>>, vector<16xf32>,
    %swap3A_736 = vector.shape_cast %swap3A_735 : vector<16xf32> to vector<16xf32>
    %swap3A_737 = vector.shape_cast %add3A_733 : vector<16xf32> to vector<16xf32>
    tpu.vector_store %arg13[%swap3A_734], %swap3A_737 {strides = array<i32>} : memref<512xf32, #tpu.memory_space<vmem>>, vector<16xf32>,
    %mul3A_738 = arith.mulf %add3A_733, %get3A_18 : vector<16xf32>
    %sub3A_739 = arith.subf %mul3A_738, %get3A_21 : vector<16xf32>
    %get3A_740 = arith.constant 416 : index
    %get3A_741 = tpu.vector_load %arg15[%get3A_740] {strides = array<i32>} : memref<512xf32, #tpu.memory_space<vmem>>, vector<16xf32>,
    %get3A_742 = vector.shape_cast %get3A_741 : vector<16xf32> to vector<16xf32>
    %div3A_743 = arith.divf %sub3A_739, %get3A_742 : vector<16xf32>
    %swap3A_744 = arith.constant 416 : index
    %swap3A_745 = tpu.vector_load %arg16[%swap3A_744] {strides = array<i32>} : memref<512xf32, #tpu.memory_space<vmem>>, vector<16xf32>,
    %swap3A_746 = vector.shape_cast %swap3A_745 : vector<16xf32> to vector<16xf32>
    %swap3A_747 = vector.shape_cast %div3A_743 : vector<16xf32> to vector<16xf32>
    tpu.vector_store %arg16[%swap3A_744], %swap3A_747 {strides = array<i32>} : memref<512xf32, #tpu.memory_space<vmem>>, vector<16xf32>,
    %get3A_748 = arith.constant 432 : index
    %get3A_749 = tpu.vector_load %arg12[%get3A_748] {strides = array<i32>} : memref<512xf32, #tpu.memory_space<vmem>>, vector<16xf32>,
    %get3A_750 = vector.shape_cast %get3A_749 : vector<16xf32> to vector<16xf32>
    %mul3A_751 = arith.constant 0.899999976 : f32
    %mul3A_752 = vector.broadcast %mul3A_751 : f32 to vector<16xf32>
    %mul3A_753 = arith.mulf %get3A_750, %mul3A_752 : vector<16xf32>
    %get3A_754 = arith.constant 432 : index
    %get3A_755 = tpu.vector_load %arg14[%get3A_754] {strides = array<i32>} : memref<512xf32, #tpu.memory_space<vmem>>, vector<16xf32>,
    %get3A_756 = vector.shape_cast %get3A_755 : vector<16xf32> to vector<16xf32>
    %mul3A_757 = arith.constant 1.000000e-01 : f32
    %mul3A_758 = vector.broadcast %mul3A_757 : f32 to vector<16xf32>
    %mul3A_759 = arith.mulf %get3A_756, %mul3A_758 : vector<16xf32>
    %add3A_760 = arith.addf %mul3A_753, %mul3A_759 : vector<16xf32>
    %swap3A_761 = arith.constant 432 : index
    %swap3A_762 = tpu.vector_load %arg13[%swap3A_761] {strides = array<i32>} : memref<512xf32, #tpu.memory_space<vmem>>, vector<16xf32>,
    %swap3A_763 = vector.shape_cast %swap3A_762 : vector<16xf32> to vector<16xf32>
    %swap3A_764 = vector.shape_cast %add3A_760 : vector<16xf32> to vector<16xf32>
    tpu.vector_store %arg13[%swap3A_761], %swap3A_764 {strides = array<i32>} : memref<512xf32, #tpu.memory_space<vmem>>, vector<16xf32>,
    %mul3A_765 = arith.mulf %add3A_760, %get3A_18 : vector<16xf32>
    %sub3A_766 = arith.subf %mul3A_765, %get3A_21 : vector<16xf32>
    %get3A_767 = arith.constant 432 : index
    %get3A_768 = tpu.vector_load %arg15[%get3A_767] {strides = array<i32>} : memref<512xf32, #tpu.memory_space<vmem>>, vector<16xf32>,
    %get3A_769 = vector.shape_cast %get3A_768 : vector<16xf32> to vector<16xf32>
    %div3A_770 = arith.divf %sub3A_766, %get3A_769 : vector<16xf32>
    %swap3A_771 = arith.constant 432 : index
    %swap3A_772 = tpu.vector_load %arg16[%swap3A_771] {strides = array<i32>} : memref<512xf32, #tpu.memory_space<vmem>>, vector<16xf32>,
    %swap3A_773 = vector.shape_cast %swap3A_772 : vector<16xf32> to vector<16xf32>
    %swap3A_774 = vector.shape_cast %div3A_770 : vector<16xf32> to vector<16xf32>
    tpu.vector_store %arg16[%swap3A_771], %swap3A_774 {strides = array<i32>} : memref<512xf32, #tpu.memory_space<vmem>>, vector<16xf32>,
    %get3A_775 = arith.constant 448 : index
    %get3A_776 = tpu.vector_load %arg12[%get3A_775] {strides = array<i32>} : memref<512xf32, #tpu.memory_space<vmem>>, vector<16xf32>,
    %get3A_777 = vector.shape_cast %get3A_776 : vector<16xf32> to vector<16xf32>
    %mul3A_778 = arith.constant 0.899999976 : f32
    %mul3A_779 = vector.broadcast %mul3A_778 : f32 to vector<16xf32>
    %mul3A_780 = arith.mulf %get3A_777, %mul3A_779 : vector<16xf32>
    %get3A_781 = arith.constant 448 : index
    %get3A_782 = tpu.vector_load %arg14[%get3A_781] {strides = array<i32>} : memref<512xf32, #tpu.memory_space<vmem>>, vector<16xf32>,
    %get3A_783 = vector.shape_cast %get3A_782 : vector<16xf32> to vector<16xf32>
    %mul3A_784 = arith.constant 1.000000e-01 : f32
    %mul3A_785 = vector.broadcast %mul3A_784 : f32 to vector<16xf32>
    %mul3A_786 = arith.mulf %get3A_783, %mul3A_785 : vector<16xf32>
    %add3A_787 = arith.addf %mul3A_780, %mul3A_786 : vector<16xf32>
    %swap3A_788 = arith.constant 448 : index
    %swap3A_789 = tpu.vector_load %arg13[%swap3A_788] {strides = array<i32>} : memref<512xf32, #tpu.memory_space<vmem>>, vector<16xf32>,
    %swap3A_790 = vector.shape_cast %swap3A_789 : vector<16xf32> to vector<16xf32>
    %swap3A_791 = vector.shape_cast %add3A_787 : vector<16xf32> to vector<16xf32>
    tpu.vector_store %arg13[%swap3A_788], %swap3A_791 {strides = array<i32>} : memref<512xf32, #tpu.memory_space<vmem>>, vector<16xf32>,
    %mul3A_792 = arith.mulf %add3A_787, %get3A_18 : vector<16xf32>
    %sub3A_793 = arith.subf %mul3A_792, %get3A_21 : vector<16xf32>
    %get3A_794 = arith.constant 448 : index
    %get3A_795 = tpu.vector_load %arg15[%get3A_794] {strides = array<i32>} : memref<512xf32, #tpu.memory_space<vmem>>, vector<16xf32>,
    %get3A_796 = vector.shape_cast %get3A_795 : vector<16xf32> to vector<16xf32>
    %div3A_797 = arith.divf %sub3A_793, %get3A_796 : vector<16xf32>
    %swap3A_798 = arith.constant 448 : index
    %swap3A_799 = tpu.vector_load %arg16[%swap3A_798] {strides = array<i32>} : memref<512xf32, #tpu.memory_space<vmem>>, vector<16xf32>,
    %swap3A_800 = vector.shape_cast %swap3A_799 : vector<16xf32> to vector<16xf32>
    %swap3A_801 = vector.shape_cast %div3A_797 : vector<16xf32> to vector<16xf32>
    tpu.vector_store %arg16[%swap3A_798], %swap3A_801 {strides = array<i32>} : memref<512xf32, #tpu.memory_space<vmem>>, vector<16xf32>,
    %get3A_802 = arith.constant 464 : index
    %get3A_803 = tpu.vector_load %arg12[%get3A_802] {strides = array<i32>} : memref<512xf32, #tpu.memory_space<vmem>>, vector<16xf32>,
    %get3A_804 = vector.shape_cast %get3A_803 : vector<16xf32> to vector<16xf32>
    %mul3A_805 = arith.constant 0.899999976 : f32
    %mul3A_806 = vector.broadcast %mul3A_805 : f32 to vector<16xf32>
    %mul3A_807 = arith.mulf %get3A_804, %mul3A_806 : vector<16xf32>
    %get3A_808 = arith.constant 464 : index
    %get3A_809 = tpu.vector_load %arg14[%get3A_808] {strides = array<i32>} : memref<512xf32, #tpu.memory_space<vmem>>, vector<16xf32>,
    %get3A_810 = vector.shape_cast %get3A_809 : vector<16xf32> to vector<16xf32>
    %mul3A_811 = arith.constant 1.000000e-01 : f32
    %mul3A_812 = vector.broadcast %mul3A_811 : f32 to vector<16xf32>
    %mul3A_813 = arith.mulf %get3A_810, %mul3A_812 : vector<16xf32>
    %add3A_814 = arith.addf %mul3A_807, %mul3A_813 : vector<16xf32>
    %swap3A_815 = arith.constant 464 : index
    %swap3A_816 = tpu.vector_load %arg13[%swap3A_815] {strides = array<i32>} : memref<512xf32, #tpu.memory_space<vmem>>, vector<16xf32>,
    %swap3A_817 = vector.shape_cast %swap3A_816 : vector<16xf32> to vector<16xf32>
    %swap3A_818 = vector.shape_cast %add3A_814 : vector<16xf32> to vector<16xf32>
    tpu.vector_store %arg13[%swap3A_815], %swap3A_818 {strides = array<i32>} : memref<512xf32, #tpu.memory_space<vmem>>, vector<16xf32>,
    %mul3A_819 = arith.mulf %add3A_814, %get3A_18 : vector<16xf32>
    %sub3A_820 = arith.subf %mul3A_819, %get3A_21 : vector<16xf32>
    %get3A_821 = arith.constant 464 : index
    %get3A_822 = tpu.vector_load %arg15[%get3A_821] {strides = array<i32>} : memref<512xf32, #tpu.memory_space<vmem>>, vector<16xf32>,
    %get3A_823 = vector.shape_cast %get3A_822 : vector<16xf32> to vector<16xf32>
    %div3A_824 = arith.divf %sub3A_820, %get3A_823 : vector<16xf32>
    %swap3A_825 = arith.constant 464 : index
    %swap3A_826 = tpu.vector_load %arg16[%swap3A_825] {strides = array<i32>} : memref<512xf32, #tpu.memory_space<vmem>>, vector<16xf32>,
    %swap3A_827 = vector.shape_cast %swap3A_826 : vector<16xf32> to vector<16xf32>
    %swap3A_828 = vector.shape_cast %div3A_824 : vector<16xf32> to vector<16xf32>
    tpu.vector_store %arg16[%swap3A_825], %swap3A_828 {strides = array<i32>} : memref<512xf32, #tpu.memory_space<vmem>>, vector<16xf32>,
    %get3A_829 = arith.constant 480 : index
    %get3A_830 = tpu.vector_load %arg12[%get3A_829] {strides = array<i32>} : memref<512xf32, #tpu.memory_space<vmem>>, vector<16xf32>,
    %get3A_831 = vector.shape_cast %get3A_830 : vector<16xf32> to vector<16xf32>
    %mul3A_832 = arith.constant 0.899999976 : f32
    %mul3A_833 = vector.broadcast %mul3A_832 : f32 to vector<16xf32>
    %mul3A_834 = arith.mulf %get3A_831, %mul3A_833 : vector<16xf32>
    %get3A_835 = arith.constant 480 : index
    %get3A_836 = tpu.vector_load %arg14[%get3A_835] {strides = array<i32>} : memref<512xf32, #tpu.memory_space<vmem>>, vector<16xf32>,
    %get3A_837 = vector.shape_cast %get3A_836 : vector<16xf32> to vector<16xf32>
    %mul3A_838 = arith.constant 1.000000e-01 : f32
    %mul3A_839 = vector.broadcast %mul3A_838 : f32 to vector<16xf32>
    %mul3A_840 = arith.mulf %get3A_837, %mul3A_839 : vector<16xf32>
    %add3A_841 = arith.addf %mul3A_834, %mul3A_840 : vector<16xf32>
    %swap3A_842 = arith.constant 480 : index
    %swap3A_843 = tpu.vector_load %arg13[%swap3A_842] {strides = array<i32>} : memref<512xf32, #tpu.memory_space<vmem>>, vector<16xf32>,
    %swap3A_844 = vector.shape_cast %swap3A_843 : vector<16xf32> to vector<16xf32>
    %swap3A_845 = vector.shape_cast %add3A_841 : vector<16xf32> to vector<16xf32>
    tpu.vector_store %arg13[%swap3A_842], %swap3A_845 {strides = array<i32>} : memref<512xf32, #tpu.memory_space<vmem>>, vector<16xf32>,
    %mul3A_846 = arith.mulf %add3A_841, %get3A_18 : vector<16xf32>
    %sub3A_847 = arith.subf %mul3A_846, %get3A_21 : vector<16xf32>
    %get3A_848 = arith.constant 480 : index
    %get3A_849 = tpu.vector_load %arg15[%get3A_848] {strides = array<i32>} : memref<512xf32, #tpu.memory_space<vmem>>, vector<16xf32>,
    %get3A_850 = vector.shape_cast %get3A_849 : vector<16xf32> to vector<16xf32>
    %div3A_851 = arith.divf %sub3A_847, %get3A_850 : vector<16xf32>
    %swap3A_852 = arith.constant 480 : index
    %swap3A_853 = tpu.vector_load %arg16[%swap3A_852] {strides = array<i32>} : memref<512xf32, #tpu.memory_space<vmem>>, vector<16xf32>,
    %swap3A_854 = vector.shape_cast %swap3A_853 : vector<16xf32> to vector<16xf32>
    %swap3A_855 = vector.shape_cast %div3A_851 : vector<16xf32> to vector<16xf32>
    tpu.vector_store %arg16[%swap3A_852], %swap3A_855 {strides = array<i32>} : memref<512xf32, #tpu.memory_space<vmem>>, vector<16xf32>,
    %get3A_856 = arith.constant 496 : index
    %get3A_857 = tpu.vector_load %arg12[%get3A_856] {strides = array<i32>} : memref<512xf32, #tpu.memory_space<vmem>>, vector<16xf32>,
    %get3A_858 = vector.shape_cast %get3A_857 : vector<16xf32> to vector<16xf32>
    %mul3A_859 = arith.constant 0.899999976 : f32
    %mul3A_860 = vector.broadcast %mul3A_859 : f32 to vector<16xf32>
    %mul3A_861 = arith.mulf %get3A_858, %mul3A_860 : vector<16xf32>
    %get3A_862 = arith.constant 496 : index
    %get3A_863 = tpu.vector_load %arg14[%get3A_862] {strides = array<i32>} : memref<512xf32, #tpu.memory_space<vmem>>, vector<16xf32>,
    %get3A_864 = vector.shape_cast %get3A_863 : vector<16xf32> to vector<16xf32>
    %mul3A_865 = arith.constant 1.000000e-01 : f32
    %mul3A_866 = vector.broadcast %mul3A_865 : f32 to vector<16xf32>
    %mul3A_867 = arith.mulf %get3A_864, %mul3A_866 : vector<16xf32>
    %add3A_868 = arith.addf %mul3A_861, %mul3A_867 : vector<16xf32>
    %swap3A_869 = arith.constant 496 : index
    %swap3A_870 = tpu.vector_load %arg13[%swap3A_869] {strides = array<i32>} : memref<512xf32, #tpu.memory_space<vmem>>, vector<16xf32>,
    %swap3A_871 = vector.shape_cast %swap3A_870 : vector<16xf32> to vector<16xf32>
    %swap3A_872 = vector.shape_cast %add3A_868 : vector<16xf32> to vector<16xf32>
    tpu.vector_store %arg13[%swap3A_869], %swap3A_872 {strides = array<i32>} : memref<512xf32, #tpu.memory_space<vmem>>, vector<16xf32>,
    %mul3A_873 = arith.mulf %add3A_868, %get3A_18 : vector<16xf32>
    %sub3A_874 = arith.subf %mul3A_873, %get3A_21 : vector<16xf32>
    %get3A_875 = arith.constant 496 : index
    %get3A_876 = tpu.vector_load %arg15[%get3A_875] {strides = array<i32>} : memref<512xf32, #tpu.memory_space<vmem>>, vector<16xf32>,
    %get3A_877 = vector.shape_cast %get3A_876 : vector<16xf32> to vector<16xf32>
    %div3A_878 = arith.divf %sub3A_874, %get3A_877 : vector<16xf32>
    %swap3A_879 = arith.constant 496 : index
    %swap3A_880 = tpu.vector_load %arg16[%swap3A_879] {strides = array<i32>} : memref<512xf32, #tpu.memory_space<vmem>>, vector<16xf32>,
    %swap3A_881 = vector.shape_cast %swap3A_880 : vector<16xf32> to vector<16xf32>
    %swap3A_882 = vector.shape_cast %div3A_878 : vector<16xf32> to vector<16xf32>
    tpu.vector_store %arg16[%swap3A_879], %swap3A_882 {strides = array<i32>} : memref<512xf32, #tpu.memory_space<vmem>>, vector<16xf32>,
    %dma_start3A_883 = tpu.memref_slice %arg8[%mul3A_2] : memref<16384xf32, #tpu.memory_space<hbm>> -> memref<512xf32, #tpu.memory_space<hbm>>
    %dma_start3A_884 = tpu.memref_slice %arg8[%mul3A_2] : memref<16384xf32, #tpu.memory_space<hbm>> -> memref<512xf32, #tpu.memory_space<hbm>>
    tpu.enqueue_dma source(%arg16 : memref<512xf32, #tpu.memory_space<vmem>>) target(%dma_start3A_884 : memref<512xf32, #tpu.memory_space<hbm>>) target_semaphore(%arg23 : memref<!tpu.dma_semaphore, #tpu.memory_space<semaphore_mem>>)
    %dma_start3A_885 = arith.constant 0 : i32
    %dma_start3A_886 = tpu.memref_slice %arg7[%dma_start3A_885] : memref<1000000xf32, #tpu.memory_space<hbm>> -> memref<1000000xf32, #tpu.memory_space<hbm>>
    tpu.enqueue_indirect_dma source(%arg13 : memref<512xf32, #tpu.memory_space<vmem>>) target(%dma_start3A_886 : memref<1000000xf32, #tpu.memory_space<hbm>>) offsets(%arg11 : memref<512xi32, #tpu.memory_space<vmem>>) semaphore(%arg22 : memref<!tpu.dma_semaphore, #tpu.memory_space<semaphore_mem>>)
    %dma_wait3A_887 = tpu.memref_slice %arg8[%mul3A_2] : memref<16384xf32, #tpu.memory_space<hbm>> -> memref<512xf32, #tpu.memory_space<hbm>>
    %dma_wait3A_888 = tpu.memref_slice %arg8[%mul3A_2] : memref<16384xf32, #tpu.memory_space<hbm>> -> memref<512xf32, #tpu.memory_space<hbm>>
    tpu.wait_dma2 semaphore(%arg23 : memref<!tpu.dma_semaphore, #tpu.memory_space<semaphore_mem>>) src(%arg16 : memref<512xf32, #tpu.memory_space<vmem>>) dst(%dma_wait3A_888 : memref<512xf32, #tpu.memory_space<hbm>>)
    %dma_wait3A_889 = arith.constant 0 : i32
    %dma_wait3A_890 = tpu.memref_slice %arg7[%dma_wait3A_889] : memref<1000000xf32, #tpu.memory_space<hbm>> -> memref<1000000xf32, #tpu.memory_space<hbm>>
    tpu.wait_indirect_dma semaphore(%arg22 : memref<!tpu.dma_semaphore, #tpu.memory_space<semaphore_mem>>) src(%arg13 : memref<512xf32, #tpu.memory_space<vmem>>) dst(%dma_wait3A_890 : memref<1000000xf32, #tpu.memory_space<hbm>>)
    return
  }
}

module attributes {stable_mosaic.version = 14 : i64} {
  func.func @_loss_body(%arg0: i32, %arg1: memref<1x2048x1000xf32, #tpu.memory_space<vmem>>, %arg2: memref<1x16384xi32, #tpu.memory_space<vmem>>, %arg3: memref<1x16384xf32, #tpu.memory_space<vmem>>) attributes {dimension_semantics = [#tpu.dimension_semantics<arbitrary>], iteration_bounds = array<i64: 8>, scalar_prefetch = 0 : i64, scratch_operands = 0 : i64, tpu.core_type = #tpu.core_type<tc>, window_params = [{transform_indices = @transform_0, window_bounds = array<i64: 1, 2048, 1000>}, {pipeline_mode = #tpu.pipeline_mode<synchronous>, transform_indices = @transform_1, window_bounds = array<i64: 1, 16384>}, {pipeline_mode = #tpu.pipeline_mode<synchronous>, transform_indices = @transform_2, window_bounds = array<i64: 1, 16384>}]} {
    %get3A = arith.constant 0 : index
    %get3A_0 = arith.constant 0 : index
    %get3A_1 = arith.constant 0 : index
    %get3A_2 = vector.load %arg1[%get3A, %get3A_0, %get3A_1] : memref<1x2048x1000xf32, #tpu.memory_space<vmem>>, vector<1x2048x1000xf32>
    %get3A_3 = vector.shape_cast %get3A_2 : vector<1x2048x1000xf32> to vector<2048x1000xf32>
    %mul3A = arith.constant 2048 : i32
    %mul3A_4 = arith.muli %arg0, %mul3A : i32
    %get3A_5 = arith.constant 0 : index
    %get3A_6 = arith.index_cast %mul3A_4 : i32 to index
    %get3A_7 = vector.load %arg2[%get3A_5, %get3A_6] : memref<1x16384xi32, #tpu.memory_space<vmem>>, vector<1x2048xi32>
    %get3A_8 = vector.shape_cast %get3A_7 : vector<1x2048xi32> to vector<2048xi32>
    %reduce_max3A = arith.constant dense<0xFF800000> : vector<2048xf32>
    %reduce_max3A_9 = vector.multi_reduction <maximumf>, %get3A_3, %reduce_max3A [1] : vector<2048x1000xf32> to vector<2048xf32>
    %broadcast_in_dim3A = vector.shape_cast %reduce_max3A_9 : vector<2048xf32> to vector<2048x1xf32>
    %sub3A = vector.broadcast %broadcast_in_dim3A : vector<2048x1xf32> to vector<2048x1000xf32>
    %sub3A_10 = arith.subf %get3A_3, %sub3A : vector<2048x1000xf32>
    %exp3A = math.exp %sub3A_10 : vector<2048x1000xf32>
    %reduce_sum3A = arith.constant dense<0.000000e+00> : vector<2048xf32>
    %reduce_sum3A_11 = vector.multi_reduction <add>, %exp3A, %reduce_sum3A [1] : vector<2048x1000xf32> to vector<2048xf32>
    %iota3A = tpu.iota {dimensions = array<i32: 1>} : vector<1x1000xi32>
    %broadcast_in_dim3A_12 = vector.shape_cast %get3A_8 : vector<2048xi32> to vector<2048x1xi32>
    %eq3A = vector.broadcast %iota3A : vector<1x1000xi32> to vector<2048x1000xi32>
    %eq3A_13 = vector.broadcast %broadcast_in_dim3A_12 : vector<2048x1xi32> to vector<2048x1000xi32>
    %eq3A_14 = arith.cmpi eq, %eq3A, %eq3A_13 : vector<2048x1000xi32>
    %jit3A = arith.constant 0.000000e+00 : f32
    %broadcast_in_dim3A_15 = vector.broadcast %jit3A : f32 to vector<2048x1000xf32>
    %select_n3A = arith.select %eq3A_14, %get3A_3, %broadcast_in_dim3A_15 : vector<2048x1000xi1>, vector<2048x1000xf32>
    %reduce_sum3A_16 = arith.constant dense<0.000000e+00> : vector<2048xf32>
    %reduce_sum3A_17 = vector.multi_reduction <add>, %select_n3A, %reduce_sum3A_16 [1] : vector<2048x1000xf32> to vector<2048xf32>
    %log3A = math.log %reduce_sum3A_11 : vector<2048xf32>
    %add3A = arith.addf %log3A, %reduce_max3A_9 : vector<2048xf32>
    %sub3A_18 = arith.subf %add3A, %reduce_sum3A_17 : vector<2048xf32>
    %mul3A_19 = arith.constant 2048 : i32
    %mul3A_20 = arith.muli %arg0, %mul3A_19 : i32
    %swap3A = arith.constant 0 : index
    %swap3A_21 = arith.index_cast %mul3A_20 : i32 to index
    %swap3A_22 = vector.load %arg3[%swap3A, %swap3A_21] : memref<1x16384xf32, #tpu.memory_space<vmem>>, vector<1x2048xf32>
    %swap3A_23 = vector.shape_cast %swap3A_22 : vector<1x2048xf32> to vector<2048xf32>
    %swap3A_24 = vector.shape_cast %sub3A_18 : vector<2048xf32> to vector<1x2048xf32>
    tpu.vector_store %arg3[%swap3A, %swap3A_21], %swap3A_24 {strides = array<i32>} : memref<1x16384xf32, #tpu.memory_space<vmem>>, vector<1x2048xf32>,
    return
  }
  func.func @transform_0(%arg0: i32) -> (i32, i32, i32) {
    %c0_i32 = arith.constant 0 : i32
    %c0_i32_0 = arith.constant 0 : i32
    %c0_i32_1 = arith.constant 0 : i32
    return %arg0, %c0_i32, %c0_i32_0 : i32, i32, i32
  }
  func.func @transform_1(%arg0: i32) -> (i32, i32) {
    %c0_i32 = arith.constant 0 : i32
    %c0_i32_0 = arith.constant 0 : i32
    %c0_i32_1 = arith.constant 0 : i32
    return %c0_i32, %c0_i32_0 : i32, i32
  }
  func.func @transform_2(%arg0: i32) -> (i32, i32) {
    %c0_i32 = arith.constant 0 : i32
    %c0_i32_0 = arith.constant 0 : i32
    %c0_i32_1 = arith.constant 0 : i32
    return %c0_i32, %c0_i32_0 : i32, i32
  }
}

</mosaic_0001>

<sc_bundles>
// kernel: kernel.4.cloned.1.call-start
scs
__scs_entry_jumppad:
0x0: {  	(pc) =	sbr.rel $0x88, $3  }
0x1: {  	(tag) =	ssettag $0x0;
	lr =	simm.s32 $0x1  }
0x2: {  	[smem:$0x3F9B] =	sst lr;
	_ =	strace $0xD0000000  }
0x3: {  	_ = 	snop  }
0x4: {  	_ = 	snop  }
0x5: {  	_ = 	snop  }
0x6: {  	_ = 	snop  }
0x7: {  	_ = 	snop  }
__scs_overlays_trampoline_lowered:
0x8: {  	[smem:$0x3FAA] =	sst s0  }
0x9: {  	[smem:$0x3FAB] =	sst s1  }
0xa: {  	[smem:$0x3FAC] =	sst s2  }
0xb: {  	[smem:$0x3FAD] =	sst s3  }
0xc: {  	[smem:$0x3FAE] =	sst s4  }
0xd: {  	[smem:$0x3FAF] =	sst s5  }
0xe: {  	[smem:$0x3FB0] =	sst s6  }
0xf: {  	[smem:$0x3FB1] =	sst s7  }
0x10: {  	[smem:$0x3FB2] =	sst s8  }
0x11: {  	[smem:$0x3FB3] =	sst s9;
	s0 =	simm.s32 @!p0 $0x0  }
0x12: {  	s1 =	sld [smem:$0x3F99];
	s0 =	simm.s32 @p0 $0x1  }
0x13: {  	[smem:$0x3FB4] =	sst s0;
	s0 =	simm.s32 @!p1 $0x0  }
0x14: {  	s2 =	sld [smem:$0x3F98];
	s0 =	simm.s32 @p1 $0x1  }
0x15: {  	[smem:$0x3FB5] =	sst s0;
	s0 =	simm.s32 @!p2 $0x0  }
0x16: {  	s3 =	sld [smem:$0x3FDB];
	s0 =	simm.s32 @p2 $0x1  }
0x17: {  	s4 =	simm.s32 $0x1BF5;
	[smem:$0x3FB7] =	sst s0  }
0x18: {  	s0 =	sld [smem:$0x3F9A];
	_ =	swait.ge [sflag:s4], $0x0  }
0x19: {  	s7 =	sld [smem:$0x3F9B]  }
0x1a: {  	s8 =	sadd.s32 $0xFFFFE003, lr  }
0x1b: {  	s9 =	sadd.s32 $0xFFFFFEF7, lr;
	s5 =	simm.s32 $0xFFFFFFFF;
	p2 =	slt.u32 s8, $0xFFFFF086  }
0x1c: {  	p1 =	slt.u32 s9, $0xF7A;
	s5 =	simm.s32 @!p2 $0x0  }
0x1d: {  	s5 =	simm.s32 @p1 $0x1;
	p0 =	seq.s32 s7, s2  }
0x1e: {  	s7 =	smul.u32 @!p0 $0xF7A, s2;
	p2 =	seq.s32 @!p0 s5, $0x0  }
0x1f: {  	s9 =	smul.u32 $0xF7A, s1;
	s8 =	simm.s32 @!p0 $0x1BF5;
	p2 =	por !p2, p0  }
0x20: {  	[sflag:s8] =	ssyncset.s32 @!p0 $0xFFFFF086;
	s6 =	sadd.s32 @!p0 s3, s7;
	s7 =	simm.s32 @!p0 $0x108  }
0x21: {  	s3 =	sadd.s32 s3, s9;
	s6 =	sadd.s32 @!p0 $0x88, s6;
	s7 =	simm.s32 @p2 $0x1082  }
0x22: {  	[simem:s7], [sflag:s8] =	dma.local @!p0 [hbm:s6], $0xF7A  }
0x23: {  	s9 =	sor.u32 $0xD0000000, s2;
	s6 =	simm.s32 $0x108;
	_ =	swait.ge @!p0 [sflag:s8], $0x0  }
0x24: {  	s3 =	sadd.s32 $0x88, s3;
	s6 =	simm.s32 @!p1 $0x1082;
	[sflag:s4] =	ssyncset.s32 $0xFFFFF086  }
0x25: {  	[simem:s6], [sflag:s4] =	dma.local [hbm:s3], $0xF7A  }
0x26: {  	[smem:$0x3F9B] =	sst s1;
	(tag) =	ssettag s2;
	_ =	strace s9  }
0x27: {  	s1 =	sld [smem:$0x3FAB]  }
0x28: {  	s2 =	sld [smem:$0x3FAC]  }
0x29: {  	s4 =	sld [smem:$0x3FAE]  }
0x2a: {  	p0 =	seq.s32 s5, $0x0;
	s5 =	sld [smem:$0x3FAF]  }
0x2b: {  	s6 =	sld [smem:$0x3FB0]  }
0x2c: {  	s7 =	sld [smem:$0x3FB1]  }
0x2d: {  	s3 =	simm.s32 $0x108;
	s8 =	sld [smem:$0x3FB2]  }
0x2e: {  	s3 =	simm.s32 @!p0 $0x1082;
	s9 =	sld [smem:$0x3FB3]  }
0x2f: {  	lr =	sadd.s32 s0, s3;
	s0 =	sld [smem:$0x3FAA]  }
0x30: {  	s3 =	sld [smem:$0x3FAD]  }
0x31: {  	[smem:$0x3FB6] =	sst s10  }
0x32: {  	s10 =	sld [smem:$0x3FB4];
	_ =	sdelay $0x3  }
0x33: {  	p0 =	seq.s32 s10, $0x1;
	s10 =	sld [smem:$0x3FB6];
	_ =	sdelay $0x3  }
0x34: {  	[smem:$0x3FB6] =	sst s10  }
0x35: {  	s10 =	sld [smem:$0x3FB5];
	_ =	sdelay $0x3  }
0x36: {  	p1 =	seq.s32 s10, $0x1;
	s10 =	sld [smem:$0x3FB6];
	_ =	sdelay $0x3  }
0x37: {  	[smem:$0x3FB6] =	sst s10  }
0x38: {  	s10 =	sld [smem:$0x3FB7]  }
0x39: {  	_ = 	snop;
	(pc) =	sbr.ind lr, $3  }
0x3a: {  	_ = 	snop  }
0x3b: {  	_ = 	snop  }
0x3c: {  	p2 =	seq.s32 s10, $0x1;
	s10 =	sld [smem:$0x3FB6]  }
0x3d: {  	_ =	shalt  }
0x3e: {  	_ =	shalt  }
0x3f: {  	_ =	shalt  }
0x40: {  	_ =	shalt  }
0x41: {  	_ =	shalt  }
0x42: {  	_ =	shalt  }
0x43: {  	_ =	shalt  }
0x44: {  	_ =	shalt  }
0x45: {  	_ =	shalt  }
0x46: {  	_ =	shalt  }
0x47: {  	_ =	shalt  }
0x48: {  	_ =	shalt  }
0x49: {  	_ =	shalt  }
0x4a: {  	_ =	shalt  }
0x4b: {  	_ =	shalt  }
0x4c: {  	_ =	shalt  }
0x4d: {  	_ =	shalt  }
0x4e: {  	_ =	shalt  }
0x4f: {  	_ =	shalt  }
0x50: {  	_ =	shalt  }
0x51: {  	_ =	shalt  }
0x52: {  	_ =	shalt  }
0x53: {  	_ =	shalt  }
0x54: {  	_ =	shalt  }
0x55: {  	_ =	shalt  }
0x56: {  	_ =	shalt  }
0x57: {  	_ =	shalt  }
0x58: {  	_ =	shalt  }
0x59: {  	_ =	shalt  }
0x5a: {  	_ =	shalt  }
0x5b: {  	_ =	shalt  }
0x5c: {  	_ =	shalt  }
0x5d: {  	_ =	shalt  }
0x5e: {  	_ =	shalt  }
0x5f: {  	_ =	shalt  }
0x60: {  	_ =	shalt  }
0x61: {  	_ =	shalt  }
0x62: {  	_ =	shalt  }
0x63: {  	_ =	shalt  }
0x64: {  	_ =	shalt  }
0x65: {  	_ =	shalt  }
0x66: {  	_ =	shalt  }
0x67: {  	_ =	shalt  }
0x68: {  	_ =	shalt  }
0x69: {  	_ =	shalt  }
0x6a: {  	_ =	shalt  }
0x6b: {  	_ =	shalt  }
0x6c: {  	_ =	shalt  }
0x6d: {  	_ =	shalt  }
0x6e: {  	_ =	shalt  }
0x6f: {  	_ =	shalt  }
0x70: {  	_ =	shalt  }
0x71: {  	_ =	shalt  }
0x72: {  	_ =	shalt  }
0x73: {  	_ =	shalt  }
0x74: {  	_ =	shalt  }
0x75: {  	_ =	shalt  }
0x76: {  	_ =	shalt  }
0x77: {  	_ =	shalt  }
0x78: {  	_ =	shalt  }
0x79: {  	_ =	shalt  }
0x7a: {  	_ =	shalt  }
0x7b: {  	_ =	shalt  }
0x7c: {  	_ =	shalt  }
0x7d: {  	_ =	shalt  }
0x7e: {  	_ =	shalt  }
0x7f: {  	_ =	shalt  }
0x80: {  	_ =	shalt  }
0x81: {  	_ =	shalt  }
0x82: {  	_ =	shalt  }
0x83: {  	_ =	shalt  }
0x84: {  	_ =	shalt  }
0x85: {  	_ =	shalt  }
0x86: {  	_ =	shalt  }
0x87: {  	_ =	shalt  }
.Lfunc_end0:
.L_simem_size_0:
called_computation_lowered:
.L_overlay_start_0:
0x88: {  	s2 =	sld [smem:$0x3FD9]  }
0x89: {  	s3 =	sld [smem:$0x3FFE];
	_ =	sdelay $0x1  }
0x8a: {  	s1 =	srdreg.scid  }
0x8b: {  	s0 =	sand.u32 $0x1, s1  }
0x8c: {  	s14 =	sshll.u32 s0, $0xA;
	s2 =	sadd.s32 s3, s2  }
0x8d: {  	s2 =	sadd.s32 s2, s14  }
0x8e: {  	[smem:$0x3FC2] =	sst s2  }
0x8f: {  	_ = 	snop  }
0x90: {  	s2 =	sld [smem:$0x3FD0]  }
0x91: {  	s15 =	sld [smem:$0x3FC7]  }
0x92: {  	s4 =	sld [smem:$0x3FC6]  }
0x93: {  	s6 =	simm.s32 $0xA;
	s7 =	simm.s32 $0x10;
	s5 =	sld [smem:$0x3FC5]  }
0x94: {  	[smem:s7], [sflag:s6] =	dma.local [hbm:s2], $0x1  }
0x95: {  	_ =	swait.eq [sflag:s6], $0x1  }
0x96: {  	[sflag:s6] =	ssyncset.done $0x0  }
0x97: {  	s16 =	sld [smem:$0x10];
	[sflag:s6] =	ssyncadd.s32 $0xFFFFFFFF  }
0x98: {  	s17 =	sld [smem:$0x11];
	(tm) =	ssettm $0x1  }
0x99: {  	s18 =	sld [smem:$0x3FFB];
	_ =	sdelay $0x3  }
0x9a: {  	_ =	strace s18  }
0x9b: {  	s7 =	sld [smem:$0x3FFC];
	_ =	sdelay $0x3  }
0x9c: {  	_ =	strace s7  }
0x9d: {  	s7 =	sld [smem:$0x3FFD];
	_ =	sdelay $0x3  }
0x9e: {  	_ =	strace s7  }
0x9f: {  	_ =	strace $0x8FFFFFFF  }
0xa0: {  	s19 =	sld [smem:$0x3FDB];
	_ =	sdelay $0x1  }
0xa1: {  	s8 =	simm.s32 $_scs_section_size  }
0xa2: {  	s9 =	simm.s32 $_size__tile_overlayer_lowered;
	s10 =	simm.s32 $_tile_overlayer_lowered  }
0xa3: {  	s22 =	simm.s32 $0x1BFF;
	s21 =	sshll.u32 s10, $0x1;
	s7 =	sadd.s32 s8, s19  }
0xa4: {  	s11 =	simm.s32 $0x0;
	s20 =	sshll.u32 s9, $0x1;
	s9 =	sadd.s32 s21, s7  }
0xa5: {  	[timem:s11], [sflag:s22] =	dma.local [hbm:s9], s20  }
0xa6: {  	_ =	swait.ge [sflag:s22], s20  }
0xa7: {  	s8 =	ssub.s32 $0x0, s20;
	[sflag:s22] =	ssyncset.done $0x0  }
0xa8: {  	[sflag:s22] =	ssyncadd.s32 s8;
	_ =	sdelay $0x1  }
0xa9: {  	s23 =	simm.s32 $0x1B8B  }
0xaa: {  	_ =	swait.ge [sflag:s23], $0x1  }
0xab: {  	[sflag:s23] =	ssyncset.done $0x0  }
0xac: {  	s25 =	simm.s32 $0x1B8E;
	s24 =	sld [smem:$0x3FFE];
	[sflag:s23] =	ssyncadd.s32 $0xFFFFFFFF  }
0xad: {  	s26 =	simm.s32 $execute0_lowered;
	[smem:$0x3FD2] =	sst s25  }
0xae: {  	s9 =	sshll.u32 s26, $0x1;
	_ =	strace $0x80000046;
	[dreg:$0x1] =	wrdreg $0xFFFFFFFF  }
0xaf: {  	s28 =	simm.s32 $_size_execute0_lowered;
	s7 =	sadd.s32 s7, s9;
	[dreg:$0x0] =	wrdreg $0x0  }
0xb0: {  	s9 =	sshll.u32 s28, $0x1;
	[dreg:$0x2] =	wrdreg s7  }
0xb1: {  	[dreg:$0x3] =	wrdreg s9  }
0xb2: {  	[dreg:$0x4] =	wrdreg $0xC0  }
0xb3: {  	_ =	task [dreg:s11], $0x5FFFF  }
0xb4: {  	[dreg:$0x1] =	wrdreg $0xFFFFFFFF  }
0xb5: {  	[dreg:$0x0] =	wrdreg $0x60  }
0xb6: {  	[dreg:$0x2] =	wrdreg s4  }
0xb7: {  	[dreg:$0x3] =	wrdreg s5  }
0xb8: {  	[dreg:$0x4] =	wrdreg s24  }
0xb9: {  	[dreg:$0x5] =	wrdreg s15  }
0xba: {  	[dreg:$0x6] =	wrdreg s17  }
0xbb: {  	[dreg:$0x7] =	wrdreg s16  }
0xbc: {  	[dreg:$0x8] =	wrdreg $0x9  }
0xbd: {  	_ =	task.clear_ibuf [dreg:s11], $0x9FFFF;
	_ =	strace $0x90000046  }
0xbe: {  	s29 =	simm.s32 $0x9;
	_ =	strace $0x80000048  }
0xbf: {  	_ =	swait.ge [sflag:s29], $0x1  }
0xc0: {  	[sflag:s29] =	ssyncadd.s32 $0xFFFFFFFF  }
0xc1: {  	_ =	strace $0x90000048  }
0xc2: {  	_ =	sfence  }
0xc3: {  	s30 =	sld [smem:$0x0];
	_ =	sdelay $0x2  }
0xc4: {  	s31 =	sshll.u32 s1, $0xD;
	s1 =	sshrl.u32 s1, $0x2  }
0xc5: {  	s3 =	sand.u32 $0x4000, s31;
	s1 =	sadd.s32 s1, s30  }
0xc6: {  	s0 =	sor.u32 s3, s0;
	s1 =	sshll.u32 s1, $0x11  }
0xc7: {  	s0 =	sor.u32 s1, s0  }
0xc8: {  	s0 =	sadd.s32 $0x8F2B, s0  }
0xc9: {  	[sflag:s0] =	ssyncadd.remote.s32 $0x1  }
0xca: {  	_ =	sfence.sel $0xFFFF  }
0xcb: {  	[dreg:$0x0] =	wrdreg $0xFFFFFFFF;
	(pc) =	sbr.abs _section_cstart, $3  }
0xcc: {  	[dreg:$0x1] =	wrdreg $0xFFFFFFFF  }
0xcd: {  	_ =	task.clear_ibuf [dreg:s11], $0x2FFFF;
	_ =	strace $0x9FFFFFFF  }
0xce: {  	(tm) =	ssettm $0x7FFFFFFF  }
0xcf: {  	_ =	shalt  }
tec
execute0_lowered:
.L_overlay_start_1:
0x0: {  	(tag) =	ssettag $0x1  }
0x1: {  	s1 =	rddreg [dreg:$0x0]  }
0x2: {  	s6 =	rddreg [dreg:$0x1]  }
0x3: {  	s5 =	rddreg [dreg:$0x2]  }
0x4: {  	s8 =	rddreg [dreg:$0x3]  }
0x5: {  	s2 =	rddreg [dreg:$0x4]  }
0x6: {  	s9 =	rddreg [dreg:$0x5]  }
0x7: {  	s0 =	rddreg [dreg:$0x6];
	s7 =	srdreg.scid  }
0x8: {  	s4 =	simm.s32 $0x0;
	s3 =	stileid.u32;
	s13 =	simm.s32 $0xC00  }
0x9: {  	s14 =	simm.s32 $0x1;
	s15 =	simm.s32 $0x200;
	s16 =	simm.s32 $0x2  }
0xa: {  	s17 =	simm.s32 $0x3;
	s18 =	simm.s32 $0x4;
	s19 =	simm.s32 $0x5  }
0xb: {  	s20 =	simm.s32 $0xA00;
	s21 =	simm.s32 $0x400;
	s7 =	sand.u32 $0x1, s7  }
0xc: {  	s22 =	simm.s32 $0x6;
	s10 =	sshll.u32 s3, $0x7;
	s11 =	sshll.u32 s7, $0x6  }
0xd: {  	[smem:$0x7FF] =	sst s4;
	s7 =	ssub.s32 $0x2, s7;
	s10 =	sor.u32 s11, s10  }
0xe: {  	_ =	strace $0x80000047;
	s12 =	sshrl.u32 s7, $0x1;
	s11 =	sadd.s32 s10, s5  }
0xf: {  	s5 =	sadd.s32 $0x1600, s5;
	s12 =	ssub.s32 s7, s12;
	s6 =	sadd.s32 s6, s10  }
0x10: {  	s8 =	sadd.s32 s8, s10;
	s9 =	sadd.s32 s9, s10;
	s7 =	sadd.s32 $0xE00, s11  }
0x11: {  	s10 =	smax.u32 s12, $0x1;
	s11 =	simm.s32 $0x600;
	s12 =	simm.s32 $0x800  }
.LBB2_1:
0x12: {  	[tilespmem:s4], [sflag:$0x1] =	stream.linear.gather [hbm4b:s6+s4], $0x200, $0x38;
	[tilespmem:$0xC80] =	vst v63  }
0x13: {  	_ = 	snop  }
0x14: {  	[tilespmem:s11], [sflag:$0x2] =	stream.linear.gather [hbm4b:s7+s4], $0x200, $0x38;
	[tilespmem:$0xC80] =	vst v63  }
0x15: {  	_ = 	snop  }
0x16: {  	[tilespmem:s12], [sflag:$0x3] =	stream.linear.gather [hbm4b:s8+s4], $0x200, $0x38;
	[tilespmem:$0xC80] =	vst v63  }
0x17: {  	_ = 	snop  }
0x18: {  	[tilespmem:s13], [sflag:$0x4] =	stream.linear.gather [hbm4b:s5+s4], $0x80, $0x38;
	[tilespmem:$0xC80] =	vst v63  }
0x19: {  	_ =	swait.ge [sflag:s14], $0x200  }
0x1a: {  	[sflag:s14] =	ssyncset.done $0x0  }
0x1b: {  	[sflag:s14] =	ssyncadd.s32 $0xFFFFFE00  }
0x1c: {  	[tilespmem:s15], [sflag:$0x5] =	stream.indirect.gather [hbm4b:s1+s15], $0x1, s4, s15, $0xb8;
	[tilespmem:$0xC80] =	vst v63  }
0x1d: {  	_ =	swait.ge [sflag:s16], $0x200  }
0x1e: {  	[sflag:s16] =	ssyncset.done $0x0  }
0x1f: {  	[sflag:s16] =	ssyncadd.s32 $0xFFFFFE00  }
0x20: {  	_ =	swait.ge [sflag:s17], $0x200  }
0x21: {  	[sflag:s17] =	ssyncset.done $0x0  }
0x22: {  	[sflag:s17] =	ssyncadd.s32 $0xFFFFFE00  }
0x23: {  	_ =	swait.ge [sflag:s18], $0x80  }
0x24: {  	[sflag:s18] =	ssyncset.done $0x0  }
0x25: {  	[sflag:s18] =	ssyncadd.s32 $0xFFFFFF80  }
0x26: {  	_ =	swait.ge [sflag:s19], $0x200  }
0x27: {  	[sflag:s19] =	ssyncset.done $0x0  }
0x28: {  	[sflag:s19] =	ssyncadd.s32 $0xFFFFFE00  }
0x29: {  	v1 =	vld [tilespmem:$0xC00]  }
0x2a: {  	v0 =	vld [tilespmem:$0xC10]  }
0x2b: {  	v2 =	vld [tilespmem:$0x200]  }
0x2c: {  	v3 =	vld [tilespmem:$0x600]  }
0x2d: {  	v4 =	vld [tilespmem:$0x800]  }
0x2e: {  	v5 =	vld [tilespmem:$0x210]  }
0x2f: {  	v6 =	vld [tilespmem:$0x610]  }
0x30: {  	v7 =	vld [tilespmem:$0x810]  }
0x31: {  	v8 =	vld [tilespmem:$0x220]  }
0x32: {  	v9 =	vld [tilespmem:$0x620]  }
0x33: {  	v10 =	vld [tilespmem:$0x820]  }
0x34: {  	v11 =	vld [tilespmem:$0x230]  }
0x35: {  	v12 =	vld [tilespmem:$0x630]  }
0x36: {  	v13 =	vld [tilespmem:$0x830]  }
0x37: {  	v42 =	vld [tilespmem:$0x240]  }
0x38: {  	v43 =	vld [tilespmem:$0x640]  }
0x39: {  	v14 =	vld [tilespmem:$0x840]  }
0x3a: {  	v15 =	vld [tilespmem:$0x250]  }
0x3b: {  	v44 =	vld [tilespmem:$0x650]  }
0x3c: {  	v45 =	vld [tilespmem:$0x850]  }
0x3d: {  	v18 =	vld [tilespmem:$0x260]  }
0x3e: {  	v19 =	vld [tilespmem:$0x660]  }
0x3f: {  	v20 =	vld [tilespmem:$0x860]  }
0x40: {  	v46 =	vld [tilespmem:$0x270]  }
0x41: {  	v47 =	vld [tilespmem:$0x670]  }
0x42: {  	v23 =	vld [tilespmem:$0x680];
	v2 =	vmul.f32 $8.999999760e-01, v2;
	(erf) = vrcp.f32 v4  }
0x43: {  	v24 =	vld [tilespmem:$0x690];
	v3 =	vmul.f32 $1.000000010e-01, v3;
	v5 =	vmul.f32 $8.999999760e-01, v5  }
0x44: {  	v28 =	vld [tilespmem:$0x6B0];
	v6 =	vmul.f32 $1.000000010e-01, v6;
	v8 =	vmul.f32 $8.999999760e-01, v8  }
0x45: {  	v38 =	vld [tilespmem:$0x710];
	v9 =	vmul.f32 $1.000000010e-01, v9;
	v11 =	vmul.f32 $8.999999760e-01, v11  }
0x46: {  	v48 =	vld [tilespmem:$0x870];
	v12 =	vmul.f32 $1.000000010e-01, v12;
	v4 =	vmul.f32 $8.999999760e-01, v42  }
0x47: {  	v54 =	vld [tilespmem:$0x290];
	v52 =	vmul.f32 $8.999999760e-01, v15;
	v18 =	vmul.f32 $8.999999760e-01, v18  }
0x48: {  	v40 =	vld [tilespmem:$0x2C0];
	v19 =	vmul.f32 $1.000000010e-01, v19;
	v23 =	vmul.f32 $1.000000010e-01, v23  }
0x49: {  	v58 =	vld [tilespmem:$0x6A0];
	v24 =	vmul.f32 $1.000000010e-01, v24;
	(erf) = vrcp.f32 v7  }
0x4a: {  	v51 =	vld [tilespmem:$0x280];
	v28 =	vmul.f32 $1.000000010e-01, v28;
	v15 =	vmul.f32 $1.000000010e-01, v38;
	v2 =	vadd.f32 v3, v2  }
0x4b: {  	v53 =	vld [tilespmem:$0x880];
	v7 =	vmul.f32 $1.000000010e-01, v43;
	v3 =	vadd.f32 v6, v5;
	v8 =	vadd.f32 v9, v8  }
0x4c: {  	v55 =	vld [tilespmem:$0x890];
	v9 =	vadd.f32 v12, v11;
	v5 =	vmul.f32 $1.000000010e-01, v44;
	v11 =	vmul.f32 $1.000000010e-01, v47  }
0x4d: {  	v56 =	vld [tilespmem:$0x2A0];
	v6 =	vmul.f32 $8.999999760e-01, v54;
	v54 =	vmul.f32 $8.999999760e-01, v40  }
0x4e: {  	v59 =	vld [tilespmem:$0x8A0];
	v4 =	vadd.f32 v7, v4;
	v7 =	vmul.f32 $1.000000010e-01, v58;
	v16 =	vmul.f32 v2, v1  }
0x4f: {  	v62 =	vld [tilespmem:$0x2B0];
	v18 =	vadd.f32 v19, v18;
	v17 =	vmul.f32 v3, v1;
	v49 =	vmul.f32 v8, v1  }
0x50: {  	v63 =	vld [tilespmem:$0x8B0];
	v50 =	vmul.f32 v9, v1;
	v21 =	vpop (erf);
	(erf) = vrcp.f32 v10  }
0x51: {  	v31 =	vld [tilespmem:$0x6C0];
	v26 =	vmul.f32 v18, v1;
	v60 =	vmul.f32 v4, v1;
	v16 =	vsub.f32 v16, v0  }
0x52: {  	v32 =	vld [tilespmem:$0x8C0];
	v17 =	vsub.f32 v17, v0;
	v10 =	vmul.f32 $8.999999760e-01, v46;
	v22 =	vpop (erf);
	(erf) = vrcp.f32 v13  }
0x53: {  	v58 =	vld [tilespmem:$0x700];
	v5 =	vadd.f32 v5, v52;
	v12 =	vmul.f32 v16, v21;
	v16 =	vmul.f32 $8.999999760e-01, v56  }
0x54: {  	v33 =	vld [tilespmem:$0x8D0];
	v6 =	vadd.f32 v24, v6;
	v13 =	vmul.f32 v17, v22;
	(erf) = vrcp.f32 v14  }
0x55: {  	v34 =	vld [tilespmem:$0x2E0];
	v22 =	vmul.f32 $8.999999760e-01, v51;
	(erf) = vrcp.f32 v45  }
0x56: {  	v35 =	vld [tilespmem:$0x6E0];
	v61 =	vmul.f32 v5, v1;
	v46 =	vmul.f32 v6, v1;
	v10 =	vadd.f32 v11, v10  }
0x57: {  	v38 =	vld [tilespmem:$0x950];
	v7 =	vadd.f32 v7, v16;
	(erf) = vrcp.f32 v20;
	v22 =	vadd.f32 v23, v22  }
0x58: {  	v43 =	vld [tilespmem:$0x2D0];
	v17 =	vsub.f32 v49, v0;
	v27 =	vmul.f32 v10, v1;
	v23 =	vmul.f32 $1.000000010e-01, v58  }
0x59: {  	v49 =	vld [tilespmem:$0x2F0];
	v51 =	vmul.f32 v7, v1;
	v45 =	vmul.f32 v22, v1;
	v25 =	vpop (erf)  }
0x5a: {  	[tilespmem:$0x400] =	vst v2;
	v21 =	vsub.f32 v50, v0;
	v56 =	vld [tilespmem:$0x300];
	(erf) = vrcp.f32 v48;
	v17 =	vmul.f32 v17, v25  }
0x5b: {  	v44 =	vld [tilespmem:$0x6D0];
	[tilespmem:$0x410] =	vst v3;
	v26 =	vsub.f32 v26, v0;
	v57 =	vpop (erf);
	(erf) = vrcp.f32 v53;
	v25 =	vmul.f32 $8.999999760e-01, v62  }
0x5c: {  	v47 =	vld [tilespmem:$0x8E0];
	[tilespmem:$0x420] =	vst v8;
	v19 =	vsub.f32 v60, v0;
	v62 =	vmul.f32 $1.000000010e-01, v35;
	v14 =	vmul.f32 v21, v57  }
0x5d: {  	[tilespmem:$0x430] =	vst v9;
	v60 =	vld [tilespmem:$0x900];
	v29 =	vpop (erf);
	(erf) = vrcp.f32 v55;
	v21 =	vsub.f32 v61, v0;
	v61 =	vmul.f32 $8.999999760e-01, v34  }
0x5e: {  	[tilespmem:$0x460] =	vst v18;
	v50 =	vld [tilespmem:$0x6F0];
	v2 =	vsub.f32 v51, v0;
	v37 =	vmul.f32 $8.999999760e-01, v49;
	v55 =	vmul.f32 $1.000000010e-01, v31;
	v30 =	vpop (erf)  }
0x5f: {  	[tilespmem:$0x440] =	vst v4;
	v51 =	vmul.f32 $8.999999760e-01, v56;
	v21 =	vmul.f32 v21, v30;
	v8 =	vadd.f32 v62, v61;
	v61 =	vld [tilespmem:$0x740]  }
0x60: {  	[tilespmem:$0xA00] =	vst v12;
	v53 =	vld [tilespmem:$0x8F0];
	v57 =	vmul.f32 $8.999999760e-01, v43;
	v25 =	vadd.f32 v28, v25;
	v41 =	vpop (erf);
	v12 =	vadd.f32 v55, v54  }
0x61: {  	v43 =	vld [tilespmem:$0x320];
	v19 =	vmul.f32 v19, v29;
	v24 =	vmul.f32 v26, v41;
	[tilespmem:$0xA50] =	vst v21;
	v21 =	vadd.f32 v23, v51  }
0x62: {  	[tilespmem:$0x450] =	vst v5;
	v29 =	vsub.f32 v45, v0;
	v54 =	vld [tilespmem:$0x930];
	v52 =	vmul.f32 v25, v1;
	v45 =	vmul.f32 v12, v1  }
0x63: {  	[tilespmem:$0x490] =	vst v6;
	v27 =	vsub.f32 v27, v0;
	v41 =	vld [tilespmem:$0x910];
	v34 =	vmul.f32 v21, v1;
	v42 =	vpop (erf);
	(erf) = vrcp.f32 v59  }
0x64: {  	[tilespmem:$0xA10] =	vst v13;
	v30 =	vsub.f32 v46, v0;
	v51 =	vld [tilespmem:$0x970];
	v59 =	vmul.f32 $1.000000010e-01, v44;
	v20 =	vmul.f32 $1.000000010e-01, v61;
	v36 =	vpop (erf)  }
0x65: {  	[tilespmem:$0x470] =	vst v10;
	v40 =	vsub.f32 v52, v0;
	v52 =	vld [tilespmem:$0x730];
	(erf) = vrcp.f32 v63;
	v28 =	vmul.f32 v29, v36  }
0x66: {  	[tilespmem:$0x4A0] =	vst v7;
	v44 =	vld [tilespmem:$0x720];
	v48 =	vpop (erf);
	(erf) = vrcp.f32 v32;
	v29 =	vmul.f32 $1.000000010e-01, v50  }
0x67: {  	[tilespmem:$0x480] =	vst v22;
	v26 =	vmul.f32 v27, v42;
	v63 =	vld [tilespmem:$0x310];
	v3 =	vadd.f32 v59, v57;
	v16 =	vmul.f32 v30, v48  }
0x68: {  	[tilespmem:$0xA20] =	vst v17;
	(erf) = vrcp.f32 v33;
	v9 =	vadd.f32 v29, v37;
	v37 =	vmul.f32 $8.999999760e-01, v43;
	v43 =	vld [tilespmem:$0x760]  }
0x69: {  	[tilespmem:$0xA30] =	vst v14;
	v50 =	vld [tilespmem:$0x330];
	v48 =	vmul.f32 v8, v1;
	(erf) = vrcp.f32 v47  }
0x6a: {  	[tilespmem:$0xA40] =	vst v19;
	v57 =	vld [tilespmem:$0x340];
	v27 =	vmul.f32 $1.000000010e-01, v52;
	v46 =	vmul.f32 v3, v1  }
0x6b: {  	[tilespmem:$0x4B0] =	vst v25;
	v14 =	vsub.f32 v45, v0;
	v45 =	vld [tilespmem:$0x960];
	v11 =	vmul.f32 $1.000000010e-01, v44;
	v49 =	vmul.f32 v9, v1  }
0x6c: {  	[tilespmem:$0x4C0] =	vst v12;
	v33 =	vld [tilespmem:$0x350];
	v56 =	vmul.f32 $8.999999760e-01, v63;
	v39 =	vpop (erf);
	(erf) = vrcp.f32 v53  }
0x6d: {  	[tilespmem:$0x4E0] =	vst v8;
	v17 =	vsub.f32 v46, v0;
	v46 =	vld [tilespmem:$0x370];
	v19 =	vmul.f32 $1.000000010e-01, v43;
	v2 =	vmul.f32 v2, v39  }
0x6e: {  	[tilespmem:$0xA60] =	vst v24;
	v43 =	vld [tilespmem:$0x7B0];
	v42 =	vpop (erf);
	(erf) = vrcp.f32 v60;
	v39 =	vmul.f32 $8.999999760e-01, v50  }
0x6f: {  	[tilespmem:$0x500] =	vst v21;
	v5 =	vsub.f32 v48, v0;
	v50 =	vmul.f32 $8.999999760e-01, v57;
	v4 =	vmul.f32 v40, v42;
	v53 =	vpop (erf);
	v40 =	vld [tilespmem:$0x360]  }
0x70: {  	[tilespmem:$0xA70] =	vst v26;
	v15 =	vadd.f32 v15, v56;
	(erf) = vrcp.f32 v41;
	v58 =	vmul.f32 v14, v53;
	v53 =	vld [tilespmem:$0x380]  }
0x71: {  	[tilespmem:$0xA80] =	vst v28;
	v52 =	vmul.f32 $8.999999760e-01, v33;
	v55 =	vpop (erf);
	v6 =	vadd.f32 v27, v39;
	v29 =	vadd.f32 v20, v50;
	v50 =	vld [tilespmem:$0x3C0]  }
0x72: {  	v47 =	vld [tilespmem:$0x920];
	[tilespmem:$0x4D0] =	vst v3;
	v35 =	vmul.f32 v15, v1;
	v59 =	vpop (erf);
	v17 =	vmul.f32 v17, v55  }
0x73: {  	[tilespmem:$0xA90] =	vst v16;
	v55 =	vld [tilespmem:$0x780];
	v5 =	vmul.f32 v5, v59;
	v48 =	vmul.f32 v6, v1  }
0x74: {  	v63 =	vld [tilespmem:$0x940];
	v60 =	vsub.f32 v49, v0;
	[tilespmem:$0xAC0] =	vst v58;
	v58 =	vmul.f32 $8.999999760e-01, v46;
	v33 =	vmul.f32 v29, v1  }
0x75: {  	v36 =	vld [tilespmem:$0x750];
	[tilespmem:$0xAA0] =	vst v2;
	v2 =	vadd.f32 v11, v37;
	v10 =	vmul.f32 $1.000000010e-01, v43;
	v56 =	vmul.f32 $8.999999760e-01, v40  }
0x76: {  	[tilespmem:$0x4F0] =	vst v9;
	v49 =	vld [tilespmem:$0x770];
	v39 =	vsub.f32 v33, v0;
	v40 =	vmul.f32 $8.999999760e-01, v53;
	v33 =	vmul.f32 $8.999999760e-01, v50  }
0x77: {  	[tilespmem:$0x510] =	vst v15;
	v59 =	vld [tilespmem:$0x390];
	v62 =	vpop (erf);
	(erf) = vrcp.f32 v47;
	v47 =	vmul.f32 v2, v1  }
0x78: {  	v24 =	vld [tilespmem:$0x9D0];
	[tilespmem:$0xAB0] =	vst v4;
	v13 =	vmul.f32 $1.000000010e-01, v55;
	v42 =	vpop (erf);
	(erf) = vrcp.f32 v54  }
0x79: {  	v23 =	vsub.f32 v35, v0;
	v35 =	vld [tilespmem:$0x7A0];
	[tilespmem:$0x520] =	vst v2;
	v14 =	vmul.f32 v60, v62;
	v44 =	vpop (erf);
	(erf) = vrcp.f32 v63  }
0x7a: {  	v30 =	vld [tilespmem:$0x990];
	v41 =	vsub.f32 v34, v0;
	[tilespmem:$0x530] =	vst v6;
	v54 =	vmul.f32 $1.000000010e-01, v36;
	(erf) = vrcp.f32 v38  }
0x7b: {  	v57 =	vld [tilespmem:$0x980];
	[tilespmem:$0x540] =	vst v29;
	v31 =	vadd.f32 v19, v56;
	v62 =	vmul.f32 $1.000000010e-01, v49;
	(erf) = vrcp.f32 v45  }
0x7c: {  	[tilespmem:$0xAD0] =	vst v17;
	v16 =	vmul.f32 $8.999999760e-01, v59;
	v7 =	vmul.f32 v41, v42;
	v63 =	vld [tilespmem:$0x790]  }
0x7d: {  	[tilespmem:$0xAE0] =	vst v5;
	v36 =	vmul.f32 v31, v1;
	v41 =	vld [tilespmem:$0x3B0];
	v3 =	vadd.f32 v54, v52;
	v8 =	vadd.f32 v62, v58  }
0x7e: {  	v55 =	vld [tilespmem:$0x7C0];
	[tilespmem:$0x560] =	vst v31;
	v11 =	vmul.f32 v23, v44;
	v52 =	vadd.f32 v13, v40;
	v62 =	vmul.f32 $1.000000010e-01, v35  }
0x7f: {  	[tilespmem:$0xAF0] =	vst v14;
	v38 =	vld [tilespmem:$0x9A0];
	v34 =	vmul.f32 v3, v1;
	v37 =	vmul.f32 v8, v1  }
0x80: {  	v32 =	vld [tilespmem:$0x3A0];
	v61 =	vsub.f32 v48, v0;
	[tilespmem:$0xB00] =	vst v7;
	v58 =	vmul.f32 v52, v1;
	v60 =	vpop (erf);
	(erf) = vrcp.f32 v51  }
0x81: {  	v27 =	vld [tilespmem:$0x3E0];
	v4 =	vsub.f32 v47, v0;
	[tilespmem:$0xB10] =	vst v11;
	v45 =	vmul.f32 $1.000000010e-01, v63;
	v28 =	vpop (erf);
	(erf) = vrcp.f32 v57  }
0x82: {  	v7 =	vsub.f32 v36, v0;
	[tilespmem:$0x550] =	vst v3;
	v63 =	vld [tilespmem:$0x7D0];
	v26 =	vmul.f32 $8.999999760e-01, v41;
	v42 =	vpop (erf);
	(erf) = vrcp.f32 v30  }
0x83: {  	v46 =	vld [tilespmem:$0x9B0];
	[tilespmem:$0x570] =	vst v8;
	v19 =	vsub.f32 v34, v0;
	v34 =	vmul.f32 $1.000000010e-01, v55;
	v54 =	vadd.f32 v45, v16;
	v44 =	vpop (erf)  }
0x84: {  	[tilespmem:$0x580] =	vst v52;
	v31 =	vadd.f32 v10, v26;
	v4 =	vmul.f32 v4, v60;
	v57 =	vld [tilespmem:$0x9C0];
	v48 =	vpop (erf);
	(erf) = vrcp.f32 v38  }
0x85: {  	v8 =	vadd.f32 v34, v33;
	v60 =	vld [tilespmem:$0x3D0];
	v5 =	vmul.f32 v61, v28;
	v59 =	vmul.f32 v54, v1;
	[tilespmem:$0x590] =	vst v54  }
0x86: {  	v29 =	vld [tilespmem:$0x9E0];
	v49 =	vsub.f32 v37, v0;
	v61 =	vmul.f32 $8.999999760e-01, v32;
	v37 =	vmul.f32 v31, v1;
	[tilespmem:$0x5B0] =	vst v31  }
0x87: {  	[tilespmem:$0x5C0] =	vst v8;
	v47 =	vmul.f32 v39, v42;
	v41 =	vmul.f32 $1.000000010e-01, v63;
	v38 =	vld [tilespmem:$0x3F0]  }
0x88: {  	v32 =	vld [tilespmem:$0x9F0];
	[tilespmem:$0xB20] =	vst v4;
	v2 =	vmul.f32 v19, v44;
	v51 =	vmul.f32 v7, v48  }
0x89: {  	v35 =	vld [tilespmem:$0x7E0];
	[tilespmem:$0xB30] =	vst v5;
	v4 =	vadd.f32 v62, v61;
	(erf) = vrcp.f32 v46;
	v48 =	vmul.f32 $8.999999760e-01, v27;
	v53 =	vpop (erf)  }
0x8a: {  	v42 =	vld [tilespmem:$0x7F0];
	[tilespmem:$0xB40] =	vst v47;
	v40 =	vmul.f32 $8.999999760e-01, v60;
	v25 =	vpop (erf);
	(erf) = vrcp.f32 v57  }
0x8b: {  	v22 =	vsub.f32 v58, v0;
	[tilespmem:$0xB50] =	vst v2;
	v30 =	vmul.f32 v4, v1;
	v28 =	vpop (erf);
	(erf) = vrcp.f32 v24  }
0x8c: {  	[tilespmem:$0x5A0] =	vst v4;
	v45 =	vadd.f32 v41, v40;
	v55 =	vmul.f32 $8.999999760e-01, v38;
	(erf) = vrcp.f32 v29  }
0x8d: {  	v23 =	vsub.f32 v59, v0;
	[tilespmem:$0xB60] =	vst v51;
	v56 =	vmul.f32 v49, v53;
	v39 =	vpop (erf);
	(erf) = vrcp.f32 v32  }
0x8e: {  	v49 =	vmul.f32 $1.000000010e-01, v35;
	[tilespmem:$0x5D0] =	vst v45;
	v2 =	vmul.f32 v22, v25  }
0x8f: {  	v36 =	vsub.f32 v30, v0;
	v3 =	vmul.f32 v23, v28;
	[tilespmem:$0xB70] =	vst v56;
	v56 =	vmul.f32 $1.000000010e-01, v42  }
0x90: {  	v44 =	vsub.f32 v37, v0;
	v46 =	vmul.f32 v8, v1;
	v54 =	vadd.f32 v49, v48;
	[tilespmem:$0xB80] =	vst v2  }
0x91: {  	v52 =	vmul.f32 v45, v1;
	v43 =	vmul.f32 v36, v39;
	[tilespmem:$0xB90] =	vst v3;
	v3 =	vadd.f32 v56, v55  }
0x92: {  	v51 =	vsub.f32 v46, v0;
	v47 =	vpop (erf);
	v58 =	vmul.f32 v54, v1;
	[tilespmem:$0x5E0] =	vst v54  }
0x93: {  	v57 =	vsub.f32 v52, v0;
	v50 =	vmul.f32 v44, v47;
	[tilespmem:$0xBA0] =	vst v43;
	v1 =	vmul.f32 v3, v1;
	v53 =	vpop (erf)  }
0x94: {  	v60 =	vsub.f32 v58, v0;
	[tilespmem:$0x5F0] =	vst v3;
	v5 =	vmul.f32 v51, v53;
	v59 =	vpop (erf)  }
0x95: {  	[tilespmem:$0xBB0] =	vst v50;
	v0 =	vsub.f32 v1, v0;
	v4 =	vmul.f32 v57, v59;
	v61 =	vpop (erf)  }
0x96: {  	[tilespmem:$0xBC0] =	vst v5;
	v62 =	vmul.f32 v60, v61;
	v63 =	vpop (erf)  }
0x97: {  	[tilespmem:$0xBD0] =	vst v4;
	v0 =	vmul.f32 v0, v63  }
0x98: {  	[tilespmem:$0xBE0] =	vst v62  }
0x99: {  	[tilespmem:$0xBF0] =	vst v0  }
0x9a: {  	[hbm4b:s9+s4] =	stream.linear.scatter [tilespmem:s20], [sflag:$0x6], $0x200, $0x38;
	[tilespmem:$0xC80] =	vst v63  }
0x9b: {  	_ = 	snop  }
0x9c: {  	[hbm4b:s2+s15] =	stream.indirect.scatter [tilespmem:s21], [sflag:$0x5], $0x1, s4, s15, $0xb8;
	[tilespmem:$0xC80] =	vst v63  }
0x9d: {  	p0 =	sne.s32 s10, $0x1;
	_ =	swait.ge [sflag:s22], $0x200  }
.Ltmp0:
0x9e: {  	[sflag:s22] =	ssyncset.done $0x0;
	(pc) =	sbr.rel @p0 .LBB2_1-.Ltmp0, $4  }
0x9f: {  	[sflag:s22] =	ssyncadd.s32 $0xFFFFFE00  }
0xa0: {  	_ =	swait.ge [sflag:s19], $0x200  }
0xa1: {  	[sflag:s19] =	ssyncset.done $0x0  }
0xa2: {  	s10 =	sadd.s32 $0xFFFFFFFF, s10;
	[sflag:s19] =	ssyncadd.s32 $0xFFFFFE00  }
0xa3: {  	_ =	sfence.sel $0x180000  }
0xa4: {  	[bflag:$0x0] =	sbarrier.arrive $0xFFFF  }
0xa5: {  	p0 =	sne.s32 s3, $0x0;
	_ =	strace $0x90000047  }
0xa6: {  	s0 =	sadd.s32 @!p0 $0x100000, s0;
	[bflag:$0x2] =	sbarrier.arrive $0xFFFF  }
0xa7: {  	[sflag:s0] =	ssyncadd.tile.s32 @!p0 $0x1;
	_ =	shalt  }
.Lfunc_end2:
_tile_overlayer_lowered:
.L_overlay_start_2:
0xa8: {  	(tag) =	ssettag $0x2  }
0xa9: {  	s0 =	rddreg [dreg:$0x0];
	s2 =	stileid.u32  }
0xaa: {  	s1 =	rddreg [dreg:$0x1];
	p0 =	sne.s32 s2, $0x0  }
0xab: {  	s3 =	rddreg [dreg:$0x2];
	[bflag:$0x3] =	sbarrier.arrive $0xFFFF;
	s2 =	simm.s32 @!p0 $0x1C07  }
0xac: {  	[timem:s3], [sflag:s2] =	dma.local @!p0 [hbm:s0], s1  }
0xad: {  	s0 =	simm.s32 @!p0 $0x7  }
0xae: {  	_ =	swait.ge @!p0 [sflag:s0], s1  }
0xaf: {  	s1 =	ssub.s32 @!p0 $0x0, s1;
	[sflag:s0] =	ssyncset.done @!p0 $0x0  }
0xb0: {  	[sflag:s0] =	ssyncadd.s32 @!p0 s1  }
0xb1: {  	[bflag:$0x3] =	sbarrier.arrive $0xFFFF  }
0xb2: {  	_ =	shalt  }

</sc_bundles>
